<compile_context>
chip_gen: v7x
topology: tpu7x:2x2x1
jax: 0.10.2.dev20260603
libtpu: 0.0.44.dev20260713+nightly
codegen_flags: <defaults>
</compile_context>

<pallas_src>
import functools

import jax
import jax.numpy as jnp
import numpy as np
from jax import lax
from jax.experimental import pallas as pl
from jax.experimental.pallas import tpu as pltpu
from jax.experimental.pallas import tpu_sc as plsc

N = 10000
C = 128
K = 32

NC, NS, L = 2, 16, 16
NW = NC * NS
NPW = 320
NPAD = NW * NPW
GN = 4
GR = GN * K
NG = NPW // GN
CH = C // L
KH = K // L

_PAD_IDX = np.asarray(
    (np.arange((NPAD - N) * K) % N).reshape(1, NPAD - N, K), np.int32)


def _tc_body(xT_ref, Wt_ref, aT_ref, whT_ref, st_ref):
    whT = jnp.dot(xT_ref[...], Wt_ref[...], preferred_element_type=jnp.float32)
    whT_ref[...] = whT
    st_ref[...] = jnp.dot(whT, aT_ref[...], preferred_element_type=jnp.float32)


_tc_call = pl.pallas_call(
    _tc_body,
    out_shape=[
        jax.ShapeDtypeStruct((NPAD, C), jnp.float32),
        jax.ShapeDtypeStruct((NPAD, 2), jnp.float32),
    ],
)


NB = 2


def _sc_body(whT_hbm, s_hbm, t_hbm, i0_hbm, i1_hbm, out_hbm,
             s_v, t_v, i0_v, i1_v, p_v, rows_v, o_v,
             sem0, sem1, osem0, osem1):
    sid = lax.axis_index("s")
    wid = sid * NC + lax.axis_index("c")

    pltpu.sync_copy(i0_hbm.at[wid], i0_v)
    sems = (sem0, sem1)
    osems = (osem0, osem1)

    def mk(g, slot):
        idx = i0_v.at[pl.ds(g * GR, GR)]
        return pltpu.make_async_copy(whT_hbm.at[idx], rows_v.at[slot], sems[slot])

    def mko(g, slot):
        return pltpu.make_async_copy(
            o_v.at[slot], out_hbm.at[pl.ds(wid * NPW + g * GN, GN)],
            osems[slot])

    for b in range(NB):
        mk(b, b).start()

    pltpu.sync_copy(s_hbm, s_v)
    pltpu.sync_copy(t_hbm, t_v)
    pltpu.sync_copy(i1_hbm.at[wid], i1_v)

    def e_body(n, carry):
        off = n * K
        es = []
        for kk in range(KH):
            ii0 = i0_v[pl.ds(off + kk * L, L)]
            ii1 = i1_v[pl.ds(off + kk * L, L)]
            e = plsc.load_gather(s_v, [ii1]) + plsc.load_gather(t_v, [ii0])
            es.append(jnp.where(e >= 0.0, e, 0.2 * e))
        m = jnp.max(es[0])
        for kk in range(1, KH):
            m = jnp.maximum(m, jnp.max(es[kk]))
        ps = [jnp.exp(e - m) for e in es]
        d = ps[0].sum()
        for kk in range(1, KH):
            d = d + ps[kk].sum()
        rv = 1.0 / jnp.full((L,), d)
        for kk in range(KH):
            p_v[pl.ds(off + kk * L, L)] = ps[kk] * rv
        return carry

    lax.fori_loop(0, NPW, e_body, 0)

    def g_body(gp, carry):
        for b in range(NB):
            g = gp * NB + b
            mk(g, b).wait()

            @pl.when(g >= NB)
            def _():
                mko(g - NB, b).wait()

            for j in range(GN):
                n = g * GN + j

                def k_body(k, acc):
                    w = plsc.load_gather(p_v, [jnp.full((L,), n * K + k, jnp.int32)])
                    return [acc[c] + w * rows_v[b, j * K + k, pl.ds(c * L, L)]
                            for c in range(CH)]

                acc = lax.fori_loop(
                    0, K, k_body, [jnp.zeros((L,), jnp.float32)] * CH)
                for c in range(CH):
                    o_v[b, j, pl.ds(c * L, L)] = acc[c]

            mko(g, b).start()

            @pl.when(g + NB < NG)
            def _():
                mk(g + NB, b).start()

        return carry

    lax.fori_loop(0, NG // NB, g_body, 0)

    for b in range(NB):
        mko(NG - NB + b, b).wait()


_sc_call = functools.partial(
    pl.kernel,
    out_type=jax.ShapeDtypeStruct((NPAD, C), jnp.float32),
    mesh=plsc.VectorSubcoreMesh(
        core_axis_name="c", subcore_axis_name="s",
        num_cores=NC, num_subcores=NS),
    scratch_types=[
        pltpu.VMEM((NPAD,), jnp.float32),
        pltpu.VMEM((NPAD,), jnp.float32),
        pltpu.VMEM((NPW * K,), jnp.int32),
        pltpu.VMEM((NPW * K,), jnp.int32),
        pltpu.VMEM((NPW * K,), jnp.float32),
        pltpu.VMEM((NB, GR, C), jnp.float32),
        pltpu.VMEM((NB, GN, C), jnp.float32),
        pltpu.SemaphoreType.DMA,
        pltpu.SemaphoreType.DMA,
        pltpu.SemaphoreType.DMA,
        pltpu.SemaphoreType.DMA,
    ],
    compiler_params=pltpu.CompilerParams(needs_layout_passes=False),
)(_sc_body)


def kernel(x, edge_index, W, a):
    B = x.shape[0]
    xf = x.reshape(B * C, N)
    xT = jnp.pad(xf.T, ((0, NPAD - N), (0, 0)))
    Wt = W.T
    aT = a.reshape(2, C).T

    whT, st = _tc_call(xT, Wt, aT)
    s = st[:, 0]
    t = st[:, 1]

    idx = edge_index.astype(jnp.int32).reshape(2, N, K)
    pad_idx = jnp.broadcast_to(jnp.asarray(_PAD_IDX), (2, NPAD - N, K))
    idxp = jnp.concatenate([idx, pad_idx], axis=1)
    i0 = idxp[0].reshape(NW, NPW * K)
    i1 = idxp[1].reshape(NW, NPW * K)

    hT = _sc_call(whT, s, t, i0, i1)
    return hT[:N].T.reshape(B, C, N, 1)

# --- scband reference (transcript-rebuilt; emitter-appended) ---
"""Pipeline reference for scband-graph-conv2d-32607391711980 (READ-ONLY COPY).

The authoritative reference and input builder live on the scoring server;
editing this copy changes nothing except your own understanding.
"""

import jax, jax.numpy as jnp
import numpy as np


def batched_index_select(x, idx):
    # x: [B, C, N, 1], idx: [B, N, K] -> [B, C, N, K]
    B, C, N, _ = x.shape
    K = idx.shape[-1]
    xf = x.reshape(B, C, N)
    idx_flat = idx.reshape(B, 1, N * K)
    idx_b = jnp.broadcast_to(idx_flat, (B, C, N * K))
    out = jnp.take_along_axis(xf, idx_b, axis=2)
    return out.reshape(B, C, N, K)


def setup_inputs(seed: int = 0) -> dict:
    key = jax.random.key(seed)
    k1, k2, k3, k4 = jax.random.split(key, 4)
    B, C, N, K = 1, 128, 10000, 32
    x = jax.random.normal(k1, (B, C, N, 1), dtype=jnp.float32)
    edge_index = jax.random.randint(k2, (2, B, N, K), 0, N, dtype=jnp.int64)
    # GAL params: W is Conv2d(C, C, 1, bias=False) -> weight [C, C];
    # a is Conv2d(2C, 1, 1, bias=False) -> weight [1, 2C]
    W = jax.random.normal(k3, (C, C), dtype=jnp.float32) * (1.0 / np.sqrt(C))
    a = jax.random.normal(k4, (1, 2 * C), dtype=jnp.float32) * (1.0 / np.sqrt(2 * C))
    return {"x": x, "edge_index": edge_index, "W": W, "a": a}


def reference(x, edge_index, W, a):
    # GraphConv2d with conv='GAL' (eval mode: dropout is identity)
    wh = jnp.einsum('oc,bcnk->bonk', W, x)              # 1x1 conv, [B,C,N,1]
    whi = batched_index_select(wh, edge_index[1])       # [B,C,N,K]
    whj = batched_index_select(wh, edge_index[0])       # [B,C,N,K]
    cat = jnp.concatenate([whi, whj], axis=1)           # [B,2C,N,K]
    Eij = jnp.einsum('oc,bcnk->bonk', a, cat)           # [B,1,N,K]
    Eij = jnp.where(Eij >= 0, Eij, 0.2 * Eij)           # LeakyReLU(0.2)
    Aij = jax.nn.softmax(Eij, axis=-1)                  # softmax over K
    h_j = whj * Aij
    h_i = jnp.sum(h_j, axis=-1, keepdims=True)          # [B,C,N,1]
    return h_i

if __name__ == "__main__":
    import jax
    _d = setup_inputs()
    print(jax.jit(kernel)(*tuple(_d.values())))

</pallas_src>

<mosaic_0001>
#map = affine_map<(d0, d1) -> (0, 0)>
#map1 = affine_map<(d0, d1) -> (0)>
module attributes {stable_mosaic.version = 14 : i64} {
  func.func @_sc_body(%arg0: i32, %arg1: i32, %arg2: memref<10240x128xf32, #tpu.memory_space<hbm>>, %arg3: memref<10240xf32, #tpu.memory_space<hbm>>, %arg4: memref<10240xf32, #tpu.memory_space<hbm>>, %arg5: memref<32x10240xi32, #tpu.memory_space<hbm>>, %arg6: memref<32x10240xi32, #tpu.memory_space<hbm>>, %arg7: memref<10240x128xf32, #tpu.memory_space<hbm>>, %arg8: memref<10240xf32, #tpu.memory_space<vmem>>, %arg9: memref<10240xf32, #tpu.memory_space<vmem>>, %arg10: memref<10240xi32, #tpu.memory_space<vmem>>, %arg11: memref<10240xi32, #tpu.memory_space<vmem>>, %arg12: memref<10240xf32, #tpu.memory_space<vmem>>, %arg13: memref<2x128x128xf32, #tpu.memory_space<vmem>>, %arg14: memref<2x4x128xf32, #tpu.memory_space<vmem>>, %arg15: memref<!tpu.dma_semaphore, #tpu.memory_space<semaphore_mem>>, %arg16: memref<!tpu.dma_semaphore, #tpu.memory_space<semaphore_mem>>, %arg17: memref<!tpu.dma_semaphore, #tpu.memory_space<semaphore_mem>>, %arg18: memref<!tpu.dma_semaphore, #tpu.memory_space<semaphore_mem>>) attributes {dimension_semantics = [#tpu.dimension_semantics<core_parallel>, #tpu.dimension_semantics<subcore_parallel>], iteration_bounds = array<i64: 2, 16>, scalar_prefetch = 0 : i64, scratch_operands = 11 : i64, tpu.core_type = #tpu.core_type<sc_vector_subcore>, window_params = [{transform_indices = #map}, {transform_indices = #map1}, {transform_indices = #map1}, {transform_indices = #map}, {transform_indices = #map}, {transform_indices = #map}]} {
    %mul3A = arith.constant 2 : i32
    %mul3A_0 = arith.muli %arg1, %mul3A : i32
    %add3A = arith.addi %mul3A_0, %arg0 : i32
    "tpu.region"() ({
      %run_scoped3A = tpu.sem_alloc : memref<!tpu.dma_semaphore, #tpu.memory_space<semaphore_mem>>
      %dma_start3A_64 = arith.constant 0 : i32
      %dma_start3A_65 = tpu.memref_slice %arg5[%add3A, %dma_start3A_64] : memref<32x10240xi32, #tpu.memory_space<hbm>> -> memref<1x10240xi32, #tpu.memory_space<hbm>>
      %dma_start3A_66 = tpu.memref_squeeze %dma_start3A_65 : memref<1x10240xi32, #tpu.memory_space<hbm>> -> memref<10240xi32, #tpu.memory_space<hbm>>
      %dma_start3A_67 = arith.constant 0 : i32
      %dma_start3A_68 = tpu.memref_slice %arg5[%add3A, %dma_start3A_67] : memref<32x10240xi32, #tpu.memory_space<hbm>> -> memref<1x10240xi32, #tpu.memory_space<hbm>>
      %dma_start3A_69 = tpu.memref_squeeze %dma_start3A_68 : memref<1x10240xi32, #tpu.memory_space<hbm>> -> memref<10240xi32, #tpu.memory_space<hbm>>
      tpu.enqueue_dma source(%dma_start3A_69 : memref<10240xi32, #tpu.memory_space<hbm>>) target(%arg10 : memref<10240xi32, #tpu.memory_space<vmem>>) target_semaphore(%run_scoped3A : memref<!tpu.dma_semaphore, #tpu.memory_space<semaphore_mem>>)
      %dma_wait3A_70 = arith.constant 0 : i32
      %dma_wait3A_71 = tpu.memref_slice %arg5[%add3A, %dma_wait3A_70] : memref<32x10240xi32, #tpu.memory_space<hbm>> -> memref<1x10240xi32, #tpu.memory_space<hbm>>
      %dma_wait3A_72 = tpu.memref_squeeze %dma_wait3A_71 : memref<1x10240xi32, #tpu.memory_space<hbm>> -> memref<10240xi32, #tpu.memory_space<hbm>>
      %dma_wait3A_73 = arith.constant 0 : i32
      %dma_wait3A_74 = tpu.memref_slice %arg5[%add3A, %dma_wait3A_73] : memref<32x10240xi32, #tpu.memory_space<hbm>> -> memref<1x10240xi32, #tpu.memory_space<hbm>>
      %dma_wait3A_75 = tpu.memref_squeeze %dma_wait3A_74 : memref<1x10240xi32, #tpu.memory_space<hbm>> -> memref<10240xi32, #tpu.memory_space<hbm>>
      tpu.wait_dma2 semaphore(%run_scoped3A : memref<!tpu.dma_semaphore, #tpu.memory_space<semaphore_mem>>) src(%dma_wait3A_75 : memref<10240xi32, #tpu.memory_space<hbm>>) dst(%arg10 : memref<10240xi32, #tpu.memory_space<vmem>>)
      tpu.yield
    }) : () -> ()
    %dma_start3A = arith.constant 0 : i32
    %dma_start3A_1 = arith.constant 0 : i32
    %dma_start3A_2 = arith.constant 0 : i32
    %dma_start3A_3 = tpu.memref_slice %arg13[%dma_start3A, %dma_start3A_1, %dma_start3A_2] : memref<2x128x128xf32, #tpu.memory_space<vmem>> -> memref<1x128x128xf32, #tpu.memory_space<vmem>>
    %dma_start3A_4 = tpu.memref_squeeze %dma_start3A_3 : memref<1x128x128xf32, #tpu.memory_space<vmem>> -> memref<128x128xf32, #tpu.memory_space<vmem>>
    %dma_start3A_5 = arith.constant 0 : i32
    %dma_start3A_6 = tpu.memref_slice %arg10[%dma_start3A_5] : memref<10240xi32, #tpu.memory_space<vmem>> -> memref<128xi32, #tpu.memory_space<vmem>>
    %dma_start3A_7 = arith.constant 0 : i32
    %dma_start3A_8 = arith.constant 0 : i32
    %dma_start3A_9 = tpu.memref_slice %arg2[%dma_start3A_7, %dma_start3A_8] : memref<10240x128xf32, #tpu.memory_space<hbm>> -> memref<10240x128xf32, #tpu.memory_space<hbm>>
    tpu.enqueue_indirect_dma source(%dma_start3A_9 : memref<10240x128xf32, #tpu.memory_space<hbm>>) target(%dma_start3A_4 : memref<128x128xf32, #tpu.memory_space<vmem>>) offsets(%dma_start3A_6 : memref<128xi32, #tpu.memory_space<vmem>>) semaphore(%arg15 : memref<!tpu.dma_semaphore, #tpu.memory_space<semaphore_mem>>)
    %dma_start3A_10 = arith.constant 1 : i32
    %dma_start3A_11 = arith.constant 0 : i32
    %dma_start3A_12 = arith.constant 0 : i32
    %dma_start3A_13 = tpu.memref_slice %arg13[%dma_start3A_10, %dma_start3A_11, %dma_start3A_12] : memref<2x128x128xf32, #tpu.memory_space<vmem>> -> memref<1x128x128xf32, #tpu.memory_space<vmem>>
    %dma_start3A_14 = tpu.memref_squeeze %dma_start3A_13 : memref<1x128x128xf32, #tpu.memory_space<vmem>> -> memref<128x128xf32, #tpu.memory_space<vmem>>
    %dma_start3A_15 = arith.constant 128 : i32
    %dma_start3A_16 = tpu.memref_slice %arg10[%dma_start3A_15] : memref<10240xi32, #tpu.memory_space<vmem>> -> memref<128xi32, #tpu.memory_space<vmem>>
    %dma_start3A_17 = arith.constant 0 : i32
    %dma_start3A_18 = arith.constant 0 : i32
    %dma_start3A_19 = tpu.memref_slice %arg2[%dma_start3A_17, %dma_start3A_18] : memref<10240x128xf32, #tpu.memory_space<hbm>> -> memref<10240x128xf32, #tpu.memory_space<hbm>>
    tpu.enqueue_indirect_dma source(%dma_start3A_19 : memref<10240x128xf32, #tpu.memory_space<hbm>>) target(%dma_start3A_14 : memref<128x128xf32, #tpu.memory_space<vmem>>) offsets(%dma_start3A_16 : memref<128xi32, #tpu.memory_space<vmem>>) semaphore(%arg16 : memref<!tpu.dma_semaphore, #tpu.memory_space<semaphore_mem>>)
    "tpu.region"() ({
      %run_scoped3A = tpu.sem_alloc : memref<!tpu.dma_semaphore, #tpu.memory_space<semaphore_mem>>
      tpu.enqueue_dma source(%arg3 : memref<10240xf32, #tpu.memory_space<hbm>>) target(%arg8 : memref<10240xf32, #tpu.memory_space<vmem>>) target_semaphore(%run_scoped3A : memref<!tpu.dma_semaphore, #tpu.memory_space<semaphore_mem>>)
      tpu.wait_dma2 semaphore(%run_scoped3A : memref<!tpu.dma_semaphore, #tpu.memory_space<semaphore_mem>>) src(%arg3 : memref<10240xf32, #tpu.memory_space<hbm>>) dst(%arg8 : memref<10240xf32, #tpu.memory_space<vmem>>)
      tpu.yield
    }) : () -> ()
    "tpu.region"() ({
      %run_scoped3A = tpu.sem_alloc : memref<!tpu.dma_semaphore, #tpu.memory_space<semaphore_mem>>
      tpu.enqueue_dma source(%arg4 : memref<10240xf32, #tpu.memory_space<hbm>>) target(%arg9 : memref<10240xf32, #tpu.memory_space<vmem>>) target_semaphore(%run_scoped3A : memref<!tpu.dma_semaphore, #tpu.memory_space<semaphore_mem>>)
      tpu.wait_dma2 semaphore(%run_scoped3A : memref<!tpu.dma_semaphore, #tpu.memory_space<semaphore_mem>>) src(%arg4 : memref<10240xf32, #tpu.memory_space<hbm>>) dst(%arg9 : memref<10240xf32, #tpu.memory_space<vmem>>)
      tpu.yield
    }) : () -> ()
    "tpu.region"() ({
      %run_scoped3A = tpu.sem_alloc : memref<!tpu.dma_semaphore, #tpu.memory_space<semaphore_mem>>
      %dma_start3A_64 = arith.constant 0 : i32
      %dma_start3A_65 = tpu.memref_slice %arg6[%add3A, %dma_start3A_64] : memref<32x10240xi32, #tpu.memory_space<hbm>> -> memref<1x10240xi32, #tpu.memory_space<hbm>>
      %dma_start3A_66 = tpu.memref_squeeze %dma_start3A_65 : memref<1x10240xi32, #tpu.memory_space<hbm>> -> memref<10240xi32, #tpu.memory_space<hbm>>
      %dma_start3A_67 = arith.constant 0 : i32
      %dma_start3A_68 = tpu.memref_slice %arg6[%add3A, %dma_start3A_67] : memref<32x10240xi32, #tpu.memory_space<hbm>> -> memref<1x10240xi32, #tpu.memory_space<hbm>>
      %dma_start3A_69 = tpu.memref_squeeze %dma_start3A_68 : memref<1x10240xi32, #tpu.memory_space<hbm>> -> memref<10240xi32, #tpu.memory_space<hbm>>
      tpu.enqueue_dma source(%dma_start3A_69 : memref<10240xi32, #tpu.memory_space<hbm>>) target(%arg11 : memref<10240xi32, #tpu.memory_space<vmem>>) target_semaphore(%run_scoped3A : memref<!tpu.dma_semaphore, #tpu.memory_space<semaphore_mem>>)
      %dma_wait3A_70 = arith.constant 0 : i32
      %dma_wait3A_71 = tpu.memref_slice %arg6[%add3A, %dma_wait3A_70] : memref<32x10240xi32, #tpu.memory_space<hbm>> -> memref<1x10240xi32, #tpu.memory_space<hbm>>
      %dma_wait3A_72 = tpu.memref_squeeze %dma_wait3A_71 : memref<1x10240xi32, #tpu.memory_space<hbm>> -> memref<10240xi32, #tpu.memory_space<hbm>>
      %dma_wait3A_73 = arith.constant 0 : i32
      %dma_wait3A_74 = tpu.memref_slice %arg6[%add3A, %dma_wait3A_73] : memref<32x10240xi32, #tpu.memory_space<hbm>> -> memref<1x10240xi32, #tpu.memory_space<hbm>>
      %dma_wait3A_75 = tpu.memref_squeeze %dma_wait3A_74 : memref<1x10240xi32, #tpu.memory_space<hbm>> -> memref<10240xi32, #tpu.memory_space<hbm>>
      tpu.wait_dma2 semaphore(%run_scoped3A : memref<!tpu.dma_semaphore, #tpu.memory_space<semaphore_mem>>) src(%dma_wait3A_75 : memref<10240xi32, #tpu.memory_space<hbm>>) dst(%arg11 : memref<10240xi32, #tpu.memory_space<vmem>>)
      tpu.yield
    }) : () -> ()
    %scan3A = arith.constant 0 : i32
    %scan3A_20 = arith.constant 0 : i32
    %scan3A_21 = arith.constant 320 : i32
    %scan3A_22 = arith.addi %scan3A_20, %scan3A_21 : i32
    %scan3A_23 = arith.constant 1 : i32
    scf.for %scan3A_64 = %scan3A_20 to %scan3A_22 step %scan3A_23  : i32 {
      %mul3A_65 = arith.constant 32 : i32
      %mul3A_66 = arith.muli %scan3A_64, %mul3A_65 : i32
      %add3A_67 = arith.constant 0 : i32
      %add3A_68 = arith.addi %mul3A_66, %add3A_67 : i32
      %get3A = arith.index_cast %add3A_68 : i32 to index
      %get3A_69 = tpu.vector_load %arg10[%get3A] {strides = array<i32>} : memref<10240xi32, #tpu.memory_space<vmem>>, vector<16xi32>,
      %add3A_70 = arith.constant 0 : i32
      %add3A_71 = arith.addi %mul3A_66, %add3A_70 : i32
      %get3A_72 = arith.index_cast %add3A_71 : i32 to index
      %get3A_73 = tpu.vector_load %arg11[%get3A_72] {strides = array<i32>} : memref<10240xi32, #tpu.memory_space<vmem>>, vector<16xi32>,
      %gather3A = tpu.vector_load_idx %arg8[%get3A_73] : memref<10240xf32, #tpu.memory_space<vmem>>[vector<16xi32>], vector<16xf32>,
      %gather3A_74 = tpu.vector_load_idx %arg9[%get3A_69] : memref<10240xf32, #tpu.memory_space<vmem>>[vector<16xi32>], vector<16xf32>,
      %add3A_75 = arith.addf %gather3A, %gather3A_74 : vector<16xf32>
      %ge3A = arith.constant 0.000000e+00 : f32
      %ge3A_76 = vector.broadcast %ge3A : f32 to vector<16xf32>
      %ge3A_77 = arith.cmpf oge, %add3A_75, %ge3A_76 : vector<16xf32>
      %mul3A_78 = arith.constant 2.000000e-01 : f32
      %mul3A_79 = vector.broadcast %mul3A_78 : f32 to vector<16xf32>
      %mul3A_80 = arith.mulf %mul3A_79, %add3A_75 : vector<16xf32>
      %select_n3A = arith.select %ge3A_77, %add3A_75, %mul3A_80 : vector<16xi1>, vector<16xf32>
      %add3A_81 = arith.constant 16 : i32
      %add3A_82 = arith.addi %mul3A_66, %add3A_81 : i32
      %get3A_83 = arith.index_cast %add3A_82 : i32 to index
      %get3A_84 = tpu.vector_load %arg10[%get3A_83] {strides = array<i32>} : memref<10240xi32, #tpu.memory_space<vmem>>, vector<16xi32>,
      %add3A_85 = arith.constant 16 : i32
      %add3A_86 = arith.addi %mul3A_66, %add3A_85 : i32
      %get3A_87 = arith.index_cast %add3A_86 : i32 to index
      %get3A_88 = tpu.vector_load %arg11[%get3A_87] {strides = array<i32>} : memref<10240xi32, #tpu.memory_space<vmem>>, vector<16xi32>,
      %gather3A_89 = tpu.vector_load_idx %arg8[%get3A_88] : memref<10240xf32, #tpu.memory_space<vmem>>[vector<16xi32>], vector<16xf32>,
      %gather3A_90 = tpu.vector_load_idx %arg9[%get3A_84] : memref<10240xf32, #tpu.memory_space<vmem>>[vector<16xi32>], vector<16xf32>,
      %add3A_91 = arith.addf %gather3A_89, %gather3A_90 : vector<16xf32>
      %ge3A_92 = arith.constant 0.000000e+00 : f32
      %ge3A_93 = vector.broadcast %ge3A_92 : f32 to vector<16xf32>
      %ge3A_94 = arith.cmpf oge, %add3A_91, %ge3A_93 : vector<16xf32>
      %mul3A_95 = arith.constant 2.000000e-01 : f32
      %mul3A_96 = vector.broadcast %mul3A_95 : f32 to vector<16xf32>
      %mul3A_97 = arith.mulf %mul3A_96, %add3A_91 : vector<16xf32>
      %select_n3A_98 = arith.select %ge3A_94, %add3A_91, %mul3A_97 : vector<16xi1>, vector<16xf32>
      %reduce_max3A = arith.constant true
      %reduce_max3A_99 = vector.broadcast %reduce_max3A : i1 to vector<16xi1>
      %reduce_max3A_100 = tpu.scan <max>, %select_n3A masked %reduce_max3A_99 : vector<16xf32>, vector<16xi1> -> vector<16xf32>
      %reduce_max3A_101 = vector.extract %reduce_max3A_100[15] : f32 from vector<16xf32>
      %reduce_max3A_102 = arith.constant true
      %reduce_max3A_103 = vector.broadcast %reduce_max3A_102 : i1 to vector<16xi1>
      %reduce_max3A_104 = tpu.scan <max>, %select_n3A_98 masked %reduce_max3A_103 : vector<16xf32>, vector<16xi1> -> vector<16xf32>
      %reduce_max3A_105 = vector.extract %reduce_max3A_104[15] : f32 from vector<16xf32>
      %max3A = arith.maximumf %reduce_max3A_101, %reduce_max3A_105 : f32
      %sub3A = vector.broadcast %max3A : f32 to vector<16xf32>
      %sub3A_106 = arith.subf %select_n3A, %sub3A : vector<16xf32>
      %exp3A = math.exp %sub3A_106 : vector<16xf32>
      %sub3A_107 = vector.broadcast %max3A : f32 to vector<16xf32>
      %sub3A_108 = arith.subf %select_n3A_98, %sub3A_107 : vector<16xf32>
      %exp3A_109 = math.exp %sub3A_108 : vector<16xf32>
      %reduce_sum3A = arith.constant true
      %reduce_sum3A_110 = vector.broadcast %reduce_sum3A : i1 to vector<16xi1>
      %reduce_sum3A_111 = tpu.scan <sum>, %exp3A masked %reduce_sum3A_110 : vector<16xf32>, vector<16xi1> -> vector<16xf32>
      %reduce_sum3A_112 = vector.extract %reduce_sum3A_111[15] : f32 from vector<16xf32>
      %reduce_sum3A_113 = arith.constant true
      %reduce_sum3A_114 = vector.broadcast %reduce_sum3A_113 : i1 to vector<16xi1>
      %reduce_sum3A_115 = tpu.scan <sum>, %exp3A_109 masked %reduce_sum3A_114 : vector<16xf32>, vector<16xi1> -> vector<16xf32>
      %reduce_sum3A_116 = vector.extract %reduce_sum3A_115[15] : f32 from vector<16xf32>
      %add3A_117 = arith.addf %reduce_sum3A_112, %reduce_sum3A_116 : f32
      %broadcast_in_dim3A = vector.broadcast %add3A_117 : f32 to vector<16xf32>
      %div3A = arith.constant 1.000000e+00 : f32
      %div3A_118 = vector.broadcast %div3A : f32 to vector<16xf32>
      %div3A_119 = arith.divf %div3A_118, %broadcast_in_dim3A : vector<16xf32>
      %mul3A_120 = arith.mulf %exp3A, %div3A_119 : vector<16xf32>
      %add3A_121 = arith.constant 0 : i32
      %add3A_122 = arith.addi %mul3A_66, %add3A_121 : i32
      %swap3A = arith.index_cast %add3A_122 : i32 to index
      %swap3A_123 = tpu.vector_load %arg12[%swap3A] {strides = array<i32>} : memref<10240xf32, #tpu.memory_space<vmem>>, vector<16xf32>,
      tpu.vector_store %arg12[%swap3A], %mul3A_120 {strides = array<i32>} : memref<10240xf32, #tpu.memory_space<vmem>>, vector<16xf32>,
      %mul3A_124 = arith.mulf %exp3A_109, %div3A_119 : vector<16xf32>
      %add3A_125 = arith.constant 16 : i32
      %add3A_126 = arith.addi %mul3A_66, %add3A_125 : i32
      %swap3A_127 = arith.index_cast %add3A_126 : i32 to index
      %swap3A_128 = tpu.vector_load %arg12[%swap3A_127] {strides = array<i32>} : memref<10240xf32, #tpu.memory_space<vmem>>, vector<16xf32>,
      tpu.vector_store %arg12[%swap3A_127], %mul3A_124 {strides = array<i32>} : memref<10240xf32, #tpu.memory_space<vmem>>, vector<16xf32>,
    }
    %scan3A_24 = arith.constant 320 : i32
    %scan3A_25 = arith.constant 0 : i32
    %scan3A_26 = arith.constant 0 : i32
    %scan3A_27 = arith.constant 40 : i32
    %scan3A_28 = arith.addi %scan3A_26, %scan3A_27 : i32
    %scan3A_29 = arith.constant 1 : i32
    scf.for %scan3A_64 = %scan3A_26 to %scan3A_28 step %scan3A_29  : i32 {
      %mul3A_65 = arith.constant 2 : i32
      %mul3A_66 = arith.muli %scan3A_64, %mul3A_65 : i32
      %add3A_67 = arith.constant 0 : i32
      %add3A_68 = arith.addi %mul3A_66, %add3A_67 : i32
      %mul3A_69 = arith.constant 128 : i32
      %mul3A_70 = arith.muli %add3A_68, %mul3A_69 : i32
      %dma_wait3A_71 = arith.constant 0 : i32
      %dma_wait3A_72 = arith.constant 0 : i32
      %dma_wait3A_73 = arith.constant 0 : i32
      %dma_wait3A_74 = tpu.memref_slice %arg13[%dma_wait3A_71, %dma_wait3A_72, %dma_wait3A_73] : memref<2x128x128xf32, #tpu.memory_space<vmem>> -> memref<1x128x128xf32, #tpu.memory_space<vmem>>
      %dma_wait3A_75 = tpu.memref_squeeze %dma_wait3A_74 : memref<1x128x128xf32, #tpu.memory_space<vmem>> -> memref<128x128xf32, #tpu.memory_space<vmem>>
      %dma_wait3A_76 = tpu.memref_slice %arg10[%mul3A_70] : memref<10240xi32, #tpu.memory_space<vmem>> -> memref<128xi32, #tpu.memory_space<vmem>>
      %dma_wait3A_77 = arith.constant 0 : i32
      %dma_wait3A_78 = arith.constant 0 : i32
      %dma_wait3A_79 = tpu.memref_slice %arg2[%dma_wait3A_77, %dma_wait3A_78] : memref<10240x128xf32, #tpu.memory_space<hbm>> -> memref<10240x128xf32, #tpu.memory_space<hbm>>
      tpu.wait_indirect_dma semaphore(%arg15 : memref<!tpu.dma_semaphore, #tpu.memory_space<semaphore_mem>>) src(%dma_wait3A_79 : memref<10240x128xf32, #tpu.memory_space<hbm>>) dst(%dma_wait3A_75 : memref<128x128xf32, #tpu.memory_space<vmem>>)
      %ge3A = arith.constant 2 : i32
      %ge3A_80 = arith.cmpi sge, %add3A_68, %ge3A : i32
      %convert_element_type3A = arith.extui %ge3A_80 : i1 to i32
      %cond3A = arith.constant 0 : i32
      %cond3A_81 = arith.cmpi ne, %convert_element_type3A, %cond3A : i32
      scf.if %cond3A_81 {
        %sub3A = arith.constant 2 : i32
        %sub3A_629 = arith.subi %add3A_68, %sub3A : i32
        %mul3A_630 = arith.constant 320 : i32
        %mul3A_631 = arith.muli %add3A, %mul3A_630 : i32
        %mul3A_632 = arith.constant 4 : i32
        %mul3A_633 = arith.muli %sub3A_629, %mul3A_632 : i32
        %add3A_634 = arith.addi %mul3A_631, %mul3A_633 : i32
        %dma_wait3A_635 = arith.constant 0 : i32
        %dma_wait3A_636 = arith.constant 0 : i32
        %dma_wait3A_637 = arith.constant 0 : i32
        %dma_wait3A_638 = tpu.memref_slice %arg14[%dma_wait3A_635, %dma_wait3A_636, %dma_wait3A_637] : memref<2x4x128xf32, #tpu.memory_space<vmem>> -> memref<1x4x128xf32, #tpu.memory_space<vmem>>
        %dma_wait3A_639 = tpu.memref_squeeze %dma_wait3A_638 : memref<1x4x128xf32, #tpu.memory_space<vmem>> -> memref<4x128xf32, #tpu.memory_space<vmem>>
        %dma_wait3A_640 = arith.constant 0 : i32
        %dma_wait3A_641 = tpu.memref_slice %arg7[%add3A_634, %dma_wait3A_640] : memref<10240x128xf32, #tpu.memory_space<hbm>> -> memref<4x128xf32, #tpu.memory_space<hbm>>
        %dma_wait3A_642 = arith.constant 0 : i32
        %dma_wait3A_643 = tpu.memref_slice %arg7[%add3A_634, %dma_wait3A_642] : memref<10240x128xf32, #tpu.memory_space<hbm>> -> memref<4x128xf32, #tpu.memory_space<hbm>>
        %dma_wait3A_644 = arith.constant 0 : i32
        %dma_wait3A_645 = arith.constant 0 : i32
        %dma_wait3A_646 = tpu.memref_slice %arg14[%dma_wait3A_635, %dma_wait3A_644, %dma_wait3A_645] : memref<2x4x128xf32, #tpu.memory_space<vmem>> -> memref<1x4x128xf32, #tpu.memory_space<vmem>>
        %dma_wait3A_647 = tpu.memref_squeeze %dma_wait3A_646 : memref<1x4x128xf32, #tpu.memory_space<vmem>> -> memref<4x128xf32, #tpu.memory_space<vmem>>
        tpu.wait_dma2 semaphore(%arg17 : memref<!tpu.dma_semaphore, #tpu.memory_space<semaphore_mem>>) src(%dma_wait3A_647 : memref<4x128xf32, #tpu.memory_space<vmem>>) dst(%dma_wait3A_643 : memref<4x128xf32, #tpu.memory_space<hbm>>)
      } else {
      }
      %mul3A_82 = arith.constant 4 : i32
      %mul3A_83 = arith.muli %add3A_68, %mul3A_82 : i32
      %add3A_84 = arith.constant 0 : i32
      %add3A_85 = arith.addi %mul3A_83, %add3A_84 : i32
      %broadcast_in_dim3A = arith.constant 0.000000e+00 : f32
      %broadcast_in_dim3A_86 = vector.broadcast %broadcast_in_dim3A : f32 to vector<16xf32>
      %scan3A_87 = arith.constant 0 : i32
      %scan3A_88 = arith.constant 32 : i32
      %scan3A_89 = arith.addi %scan3A_87, %scan3A_88 : i32
      %scan3A_90 = arith.constant 1 : i32
      %scan3A_91:8 = scf.for %scan3A_629 = %scan3A_87 to %scan3A_89 step %scan3A_90 iter_args(%scan3A_630 = %broadcast_in_dim3A_86, %scan3A_631 = %broadcast_in_dim3A_86, %scan3A_632 = %broadcast_in_dim3A_86, %scan3A_633 = %broadcast_in_dim3A_86, %scan3A_634 = %broadcast_in_dim3A_86, %scan3A_635 = %broadcast_in_dim3A_86, %scan3A_636 = %broadcast_in_dim3A_86, %scan3A_637 = %broadcast_in_dim3A_86) -> (vector<16xf32>, vector<16xf32>, vector<16xf32>, vector<16xf32>, vector<16xf32>, vector<16xf32>, vector<16xf32>, vector<16xf32>)  : i32 {
        %mul3A_638 = arith.constant 32 : i32
        %mul3A_639 = arith.muli %add3A_85, %mul3A_638 : i32
        %add3A_640 = arith.addi %mul3A_639, %scan3A_629 : i32
        %broadcast_in_dim3A_641 = vector.broadcast %add3A_640 : i32 to vector<16xi32>
        %gather3A = tpu.vector_load_idx %arg12[%broadcast_in_dim3A_641] : memref<10240xf32, #tpu.memory_space<vmem>>[vector<16xi32>], vector<16xf32>,
        %add3A_642 = arith.constant 0 : i32
        %add3A_643 = arith.addi %add3A_642, %scan3A_629 : i32
        %get3A = arith.constant 0 : i32
        %get3A_644 = arith.index_cast %get3A : i32 to index
        %get3A_645 = arith.index_cast %add3A_643 : i32 to index
        %get3A_646 = arith.constant 0 : index
        %get3A_647 = tpu.vector_load %arg13[%get3A_644, %get3A_645, %get3A_646] {strides = array<i32>} : memref<2x128x128xf32, #tpu.memory_space<vmem>>, vector<16xf32>,
        %mul3A_648 = arith.mulf %gather3A, %get3A_647 : vector<16xf32>
        %add3A_649 = arith.addf %scan3A_630, %mul3A_648 : vector<16xf32>
        %add3A_650 = arith.constant 0 : i32
        %add3A_651 = arith.addi %add3A_650, %scan3A_629 : i32
        %get3A_652 = arith.constant 0 : i32
        %get3A_653 = arith.index_cast %get3A_652 : i32 to index
        %get3A_654 = arith.index_cast %add3A_651 : i32 to index
        %get3A_655 = arith.constant 16 : index
        %get3A_656 = tpu.vector_load %arg13[%get3A_653, %get3A_654, %get3A_655] {strides = array<i32>} : memref<2x128x128xf32, #tpu.memory_space<vmem>>, vector<16xf32>,
        %mul3A_657 = arith.mulf %gather3A, %get3A_656 : vector<16xf32>
        %add3A_658 = arith.addf %scan3A_631, %mul3A_657 : vector<16xf32>
        %add3A_659 = arith.constant 0 : i32
        %add3A_660 = arith.addi %add3A_659, %scan3A_629 : i32
        %get3A_661 = arith.constant 0 : i32
        %get3A_662 = arith.index_cast %get3A_661 : i32 to index
        %get3A_663 = arith.index_cast %add3A_660 : i32 to index
        %get3A_664 = arith.constant 32 : index
        %get3A_665 = tpu.vector_load %arg13[%get3A_662, %get3A_663, %get3A_664] {strides = array<i32>} : memref<2x128x128xf32, #tpu.memory_space<vmem>>, vector<16xf32>,
        %mul3A_666 = arith.mulf %gather3A, %get3A_665 : vector<16xf32>
        %add3A_667 = arith.addf %scan3A_632, %mul3A_666 : vector<16xf32>
        %add3A_668 = arith.constant 0 : i32
        %add3A_669 = arith.addi %add3A_668, %scan3A_629 : i32
        %get3A_670 = arith.constant 0 : i32
        %get3A_671 = arith.index_cast %get3A_670 : i32 to index
        %get3A_672 = arith.index_cast %add3A_669 : i32 to index
        %get3A_673 = arith.constant 48 : index
        %get3A_674 = tpu.vector_load %arg13[%get3A_671, %get3A_672, %get3A_673] {strides = array<i32>} : memref<2x128x128xf32, #tpu.memory_space<vmem>>, vector<16xf32>,
        %mul3A_675 = arith.mulf %gather3A, %get3A_674 : vector<16xf32>
        %add3A_676 = arith.addf %scan3A_633, %mul3A_675 : vector<16xf32>
        %add3A_677 = arith.constant 0 : i32
        %add3A_678 = arith.addi %add3A_677, %scan3A_629 : i32
        %get3A_679 = arith.constant 0 : i32
        %get3A_680 = arith.index_cast %get3A_679 : i32 to index
        %get3A_681 = arith.index_cast %add3A_678 : i32 to index
        %get3A_682 = arith.constant 64 : index
        %get3A_683 = tpu.vector_load %arg13[%get3A_680, %get3A_681, %get3A_682] {strides = array<i32>} : memref<2x128x128xf32, #tpu.memory_space<vmem>>, vector<16xf32>,
        %mul3A_684 = arith.mulf %gather3A, %get3A_683 : vector<16xf32>
        %add3A_685 = arith.addf %scan3A_634, %mul3A_684 : vector<16xf32>
        %add3A_686 = arith.constant 0 : i32
        %add3A_687 = arith.addi %add3A_686, %scan3A_629 : i32
        %get3A_688 = arith.constant 0 : i32
        %get3A_689 = arith.index_cast %get3A_688 : i32 to index
        %get3A_690 = arith.index_cast %add3A_687 : i32 to index
        %get3A_691 = arith.constant 80 : index
        %get3A_692 = tpu.vector_load %arg13[%get3A_689, %get3A_690, %get3A_691] {strides = array<i32>} : memref<2x128x128xf32, #tpu.memory_space<vmem>>, vector<16xf32>,
        %mul3A_693 = arith.mulf %gather3A, %get3A_692 : vector<16xf32>
        %add3A_694 = arith.addf %scan3A_635, %mul3A_693 : vector<16xf32>
        %add3A_695 = arith.constant 0 : i32
        %add3A_696 = arith.addi %add3A_695, %scan3A_629 : i32
        %get3A_697 = arith.constant 0 : i32
        %get3A_698 = arith.index_cast %get3A_697 : i32 to index
        %get3A_699 = arith.index_cast %add3A_696 : i32 to index
        %get3A_700 = arith.constant 96 : index
        %get3A_701 = tpu.vector_load %arg13[%get3A_698, %get3A_699, %get3A_700] {strides = array<i32>} : memref<2x128x128xf32, #tpu.memory_space<vmem>>, vector<16xf32>,
        %mul3A_702 = arith.mulf %gather3A, %get3A_701 : vector<16xf32>
        %add3A_703 = arith.addf %scan3A_636, %mul3A_702 : vector<16xf32>
        %add3A_704 = arith.constant 0 : i32
        %add3A_705 = arith.addi %add3A_704, %scan3A_629 : i32
        %get3A_706 = arith.constant 0 : i32
        %get3A_707 = arith.index_cast %get3A_706 : i32 to index
        %get3A_708 = arith.index_cast %add3A_705 : i32 to index
        %get3A_709 = arith.constant 112 : index
        %get3A_710 = tpu.vector_load %arg13[%get3A_707, %get3A_708, %get3A_709] {strides = array<i32>} : memref<2x128x128xf32, #tpu.memory_space<vmem>>, vector<16xf32>,
        %mul3A_711 = arith.mulf %gather3A, %get3A_710 : vector<16xf32>
        %add3A_712 = arith.addf %scan3A_637, %mul3A_711 : vector<16xf32>
        scf.yield %add3A_649, %add3A_658, %add3A_667, %add3A_676, %add3A_685, %add3A_694, %add3A_703, %add3A_712 : vector<16xf32>, vector<16xf32>, vector<16xf32>, vector<16xf32>, vector<16xf32>, vector<16xf32>, vector<16xf32>, vector<16xf32>
      }
      %scan3A_92 = arith.constant 32 : i32
      %swap3A = arith.constant 0 : i32
      %swap3A_93 = arith.constant 0 : i32
      %swap3A_94 = arith.index_cast %swap3A : i32 to index
      %swap3A_95 = arith.index_cast %swap3A_93 : i32 to index
      %swap3A_96 = arith.constant 0 : index
      %swap3A_97 = tpu.vector_load %arg14[%swap3A_94, %swap3A_95, %swap3A_96] {strides = array<i32>} : memref<2x4x128xf32, #tpu.memory_space<vmem>>, vector<16xf32>,
      tpu.vector_store %arg14[%swap3A_94, %swap3A_95, %swap3A_96], %scan3A_91#0 {strides = array<i32>} : memref<2x4x128xf32, #tpu.memory_space<vmem>>, vector<16xf32>,
      %swap3A_98 = arith.constant 0 : i32
      %swap3A_99 = arith.constant 0 : i32
      %swap3A_100 = arith.index_cast %swap3A_98 : i32 to index
      %swap3A_101 = arith.index_cast %swap3A_99 : i32 to index
      %swap3A_102 = arith.constant 16 : index
      %swap3A_103 = tpu.vector_load %arg14[%swap3A_100, %swap3A_101, %swap3A_102] {strides = array<i32>} : memref<2x4x128xf32, #tpu.memory_space<vmem>>, vector<16xf32>,
      tpu.vector_store %arg14[%swap3A_100, %swap3A_101, %swap3A_102], %scan3A_91#1 {strides = array<i32>} : memref<2x4x128xf32, #tpu.memory_space<vmem>>, vector<16xf32>,
      %swap3A_104 = arith.constant 0 : i32
      %swap3A_105 = arith.constant 0 : i32
      %swap3A_106 = arith.index_cast %swap3A_104 : i32 to index
      %swap3A_107 = arith.index_cast %swap3A_105 : i32 to index
      %swap3A_108 = arith.constant 32 : index
      %swap3A_109 = tpu.vector_load %arg14[%swap3A_106, %swap3A_107, %swap3A_108] {strides = array<i32>} : memref<2x4x128xf32, #tpu.memory_space<vmem>>, vector<16xf32>,
      tpu.vector_store %arg14[%swap3A_106, %swap3A_107, %swap3A_108], %scan3A_91#2 {strides = array<i32>} : memref<2x4x128xf32, #tpu.memory_space<vmem>>, vector<16xf32>,
      %swap3A_110 = arith.constant 0 : i32
      %swap3A_111 = arith.constant 0 : i32
      %swap3A_112 = arith.index_cast %swap3A_110 : i32 to index
      %swap3A_113 = arith.index_cast %swap3A_111 : i32 to index
      %swap3A_114 = arith.constant 48 : index
      %swap3A_115 = tpu.vector_load %arg14[%swap3A_112, %swap3A_113, %swap3A_114] {strides = array<i32>} : memref<2x4x128xf32, #tpu.memory_space<vmem>>, vector<16xf32>,
      tpu.vector_store %arg14[%swap3A_112, %swap3A_113, %swap3A_114], %scan3A_91#3 {strides = array<i32>} : memref<2x4x128xf32, #tpu.memory_space<vmem>>, vector<16xf32>,
      %swap3A_116 = arith.constant 0 : i32
      %swap3A_117 = arith.constant 0 : i32
      %swap3A_118 = arith.index_cast %swap3A_116 : i32 to index
      %swap3A_119 = arith.index_cast %swap3A_117 : i32 to index
      %swap3A_120 = arith.constant 64 : index
      %swap3A_121 = tpu.vector_load %arg14[%swap3A_118, %swap3A_119, %swap3A_120] {strides = array<i32>} : memref<2x4x128xf32, #tpu.memory_space<vmem>>, vector<16xf32>,
      tpu.vector_store %arg14[%swap3A_118, %swap3A_119, %swap3A_120], %scan3A_91#4 {strides = array<i32>} : memref<2x4x128xf32, #tpu.memory_space<vmem>>, vector<16xf32>,
      %swap3A_122 = arith.constant 0 : i32
      %swap3A_123 = arith.constant 0 : i32
      %swap3A_124 = arith.index_cast %swap3A_122 : i32 to index
      %swap3A_125 = arith.index_cast %swap3A_123 : i32 to index
      %swap3A_126 = arith.constant 80 : index
      %swap3A_127 = tpu.vector_load %arg14[%swap3A_124, %swap3A_125, %swap3A_126] {strides = array<i32>} : memref<2x4x128xf32, #tpu.memory_space<vmem>>, vector<16xf32>,
      tpu.vector_store %arg14[%swap3A_124, %swap3A_125, %swap3A_126], %scan3A_91#5 {strides = array<i32>} : memref<2x4x128xf32, #tpu.memory_space<vmem>>, vector<16xf32>,
      %swap3A_128 = arith.constant 0 : i32
      %swap3A_129 = arith.constant 0 : i32
      %swap3A_130 = arith.index_cast %swap3A_128 : i32 to index
      %swap3A_131 = arith.index_cast %swap3A_129 : i32 to index
      %swap3A_132 = arith.constant 96 : index
      %swap3A_133 = tpu.vector_load %arg14[%swap3A_130, %swap3A_131, %swap3A_132] {strides = array<i32>} : memref<2x4x128xf32, #tpu.memory_space<vmem>>, vector<16xf32>,
      tpu.vector_store %arg14[%swap3A_130, %swap3A_131, %swap3A_132], %scan3A_91#6 {strides = array<i32>} : memref<2x4x128xf32, #tpu.memory_space<vmem>>, vector<16xf32>,
      %swap3A_134 = arith.constant 0 : i32
      %swap3A_135 = arith.constant 0 : i32
      %swap3A_136 = arith.index_cast %swap3A_134 : i32 to index
      %swap3A_137 = arith.index_cast %swap3A_135 : i32 to index
      %swap3A_138 = arith.constant 112 : index
      %swap3A_139 = tpu.vector_load %arg14[%swap3A_136, %swap3A_137, %swap3A_138] {strides = array<i32>} : memref<2x4x128xf32, #tpu.memory_space<vmem>>, vector<16xf32>,
      tpu.vector_store %arg14[%swap3A_136, %swap3A_137, %swap3A_138], %scan3A_91#7 {strides = array<i32>} : memref<2x4x128xf32, #tpu.memory_space<vmem>>, vector<16xf32>,
      %mul3A_140 = arith.constant 4 : i32
      %mul3A_141 = arith.muli %add3A_68, %mul3A_140 : i32
      %add3A_142 = arith.constant 1 : i32
      %add3A_143 = arith.addi %mul3A_141, %add3A_142 : i32
      %broadcast_in_dim3A_144 = arith.constant 0.000000e+00 : f32
      %broadcast_in_dim3A_145 = vector.broadcast %broadcast_in_dim3A_144 : f32 to vector<16xf32>
      %scan3A_146 = arith.constant 0 : i32
      %scan3A_147 = arith.constant 32 : i32
      %scan3A_148 = arith.addi %scan3A_146, %scan3A_147 : i32
      %scan3A_149 = arith.constant 1 : i32
      %scan3A_150:8 = scf.for %scan3A_629 = %scan3A_146 to %scan3A_148 step %scan3A_149 iter_args(%scan3A_630 = %broadcast_in_dim3A_145, %scan3A_631 = %broadcast_in_dim3A_145, %scan3A_632 = %broadcast_in_dim3A_145, %scan3A_633 = %broadcast_in_dim3A_145, %scan3A_634 = %broadcast_in_dim3A_145, %scan3A_635 = %broadcast_in_dim3A_145, %scan3A_636 = %broadcast_in_dim3A_145, %scan3A_637 = %broadcast_in_dim3A_145) -> (vector<16xf32>, vector<16xf32>, vector<16xf32>, vector<16xf32>, vector<16xf32>, vector<16xf32>, vector<16xf32>, vector<16xf32>)  : i32 {
        %mul3A_638 = arith.constant 32 : i32
        %mul3A_639 = arith.muli %add3A_143, %mul3A_638 : i32
        %add3A_640 = arith.addi %mul3A_639, %scan3A_629 : i32
        %broadcast_in_dim3A_641 = vector.broadcast %add3A_640 : i32 to vector<16xi32>
        %gather3A = tpu.vector_load_idx %arg12[%broadcast_in_dim3A_641] : memref<10240xf32, #tpu.memory_space<vmem>>[vector<16xi32>], vector<16xf32>,
        %add3A_642 = arith.constant 32 : i32
        %add3A_643 = arith.addi %add3A_642, %scan3A_629 : i32
        %get3A = arith.constant 0 : i32
        %get3A_644 = arith.index_cast %get3A : i32 to index
        %get3A_645 = arith.index_cast %add3A_643 : i32 to index
        %get3A_646 = arith.constant 0 : index
        %get3A_647 = tpu.vector_load %arg13[%get3A_644, %get3A_645, %get3A_646] {strides = array<i32>} : memref<2x128x128xf32, #tpu.memory_space<vmem>>, vector<16xf32>,
        %mul3A_648 = arith.mulf %gather3A, %get3A_647 : vector<16xf32>
        %add3A_649 = arith.addf %scan3A_630, %mul3A_648 : vector<16xf32>
        %add3A_650 = arith.constant 32 : i32
        %add3A_651 = arith.addi %add3A_650, %scan3A_629 : i32
        %get3A_652 = arith.constant 0 : i32
        %get3A_653 = arith.index_cast %get3A_652 : i32 to index
        %get3A_654 = arith.index_cast %add3A_651 : i32 to index
        %get3A_655 = arith.constant 16 : index
        %get3A_656 = tpu.vector_load %arg13[%get3A_653, %get3A_654, %get3A_655] {strides = array<i32>} : memref<2x128x128xf32, #tpu.memory_space<vmem>>, vector<16xf32>,
        %mul3A_657 = arith.mulf %gather3A, %get3A_656 : vector<16xf32>
        %add3A_658 = arith.addf %scan3A_631, %mul3A_657 : vector<16xf32>
        %add3A_659 = arith.constant 32 : i32
        %add3A_660 = arith.addi %add3A_659, %scan3A_629 : i32
        %get3A_661 = arith.constant 0 : i32
        %get3A_662 = arith.index_cast %get3A_661 : i32 to index
        %get3A_663 = arith.index_cast %add3A_660 : i32 to index
        %get3A_664 = arith.constant 32 : index
        %get3A_665 = tpu.vector_load %arg13[%get3A_662, %get3A_663, %get3A_664] {strides = array<i32>} : memref<2x128x128xf32, #tpu.memory_space<vmem>>, vector<16xf32>,
        %mul3A_666 = arith.mulf %gather3A, %get3A_665 : vector<16xf32>
        %add3A_667 = arith.addf %scan3A_632, %mul3A_666 : vector<16xf32>
        %add3A_668 = arith.constant 32 : i32
        %add3A_669 = arith.addi %add3A_668, %scan3A_629 : i32
        %get3A_670 = arith.constant 0 : i32
        %get3A_671 = arith.index_cast %get3A_670 : i32 to index
        %get3A_672 = arith.index_cast %add3A_669 : i32 to index
        %get3A_673 = arith.constant 48 : index
        %get3A_674 = tpu.vector_load %arg13[%get3A_671, %get3A_672, %get3A_673] {strides = array<i32>} : memref<2x128x128xf32, #tpu.memory_space<vmem>>, vector<16xf32>,
        %mul3A_675 = arith.mulf %gather3A, %get3A_674 : vector<16xf32>
        %add3A_676 = arith.addf %scan3A_633, %mul3A_675 : vector<16xf32>
        %add3A_677 = arith.constant 32 : i32
        %add3A_678 = arith.addi %add3A_677, %scan3A_629 : i32
        %get3A_679 = arith.constant 0 : i32
        %get3A_680 = arith.index_cast %get3A_679 : i32 to index
        %get3A_681 = arith.index_cast %add3A_678 : i32 to index
        %get3A_682 = arith.constant 64 : index
        %get3A_683 = tpu.vector_load %arg13[%get3A_680, %get3A_681, %get3A_682] {strides = array<i32>} : memref<2x128x128xf32, #tpu.memory_space<vmem>>, vector<16xf32>,
        %mul3A_684 = arith.mulf %gather3A, %get3A_683 : vector<16xf32>
        %add3A_685 = arith.addf %scan3A_634, %mul3A_684 : vector<16xf32>
        %add3A_686 = arith.constant 32 : i32
        %add3A_687 = arith.addi %add3A_686, %scan3A_629 : i32
        %get3A_688 = arith.constant 0 : i32
        %get3A_689 = arith.index_cast %get3A_688 : i32 to index
        %get3A_690 = arith.index_cast %add3A_687 : i32 to index
        %get3A_691 = arith.constant 80 : index
        %get3A_692 = tpu.vector_load %arg13[%get3A_689, %get3A_690, %get3A_691] {strides = array<i32>} : memref<2x128x128xf32, #tpu.memory_space<vmem>>, vector<16xf32>,
        %mul3A_693 = arith.mulf %gather3A, %get3A_692 : vector<16xf32>
        %add3A_694 = arith.addf %scan3A_635, %mul3A_693 : vector<16xf32>
        %add3A_695 = arith.constant 32 : i32
        %add3A_696 = arith.addi %add3A_695, %scan3A_629 : i32
        %get3A_697 = arith.constant 0 : i32
        %get3A_698 = arith.index_cast %get3A_697 : i32 to index
        %get3A_699 = arith.index_cast %add3A_696 : i32 to index
        %get3A_700 = arith.constant 96 : index
        %get3A_701 = tpu.vector_load %arg13[%get3A_698, %get3A_699, %get3A_700] {strides = array<i32>} : memref<2x128x128xf32, #tpu.memory_space<vmem>>, vector<16xf32>,
        %mul3A_702 = arith.mulf %gather3A, %get3A_701 : vector<16xf32>
        %add3A_703 = arith.addf %scan3A_636, %mul3A_702 : vector<16xf32>
        %add3A_704 = arith.constant 32 : i32
        %add3A_705 = arith.addi %add3A_704, %scan3A_629 : i32
        %get3A_706 = arith.constant 0 : i32
        %get3A_707 = arith.index_cast %get3A_706 : i32 to index
        %get3A_708 = arith.index_cast %add3A_705 : i32 to index
        %get3A_709 = arith.constant 112 : index
        %get3A_710 = tpu.vector_load %arg13[%get3A_707, %get3A_708, %get3A_709] {strides = array<i32>} : memref<2x128x128xf32, #tpu.memory_space<vmem>>, vector<16xf32>,
        %mul3A_711 = arith.mulf %gather3A, %get3A_710 : vector<16xf32>
        %add3A_712 = arith.addf %scan3A_637, %mul3A_711 : vector<16xf32>
        scf.yield %add3A_649, %add3A_658, %add3A_667, %add3A_676, %add3A_685, %add3A_694, %add3A_703, %add3A_712 : vector<16xf32>, vector<16xf32>, vector<16xf32>, vector<16xf32>, vector<16xf32>, vector<16xf32>, vector<16xf32>, vector<16xf32>
      }
      %scan3A_151 = arith.constant 32 : i32
      %swap3A_152 = arith.constant 0 : i32
      %swap3A_153 = arith.constant 1 : i32
      %swap3A_154 = arith.index_cast %swap3A_152 : i32 to index
      %swap3A_155 = arith.index_cast %swap3A_153 : i32 to index
      %swap3A_156 = arith.constant 0 : index
      %swap3A_157 = tpu.vector_load %arg14[%swap3A_154, %swap3A_155, %swap3A_156] {strides = array<i32>} : memref<2x4x128xf32, #tpu.memory_space<vmem>>, vector<16xf32>,
      tpu.vector_store %arg14[%swap3A_154, %swap3A_155, %swap3A_156], %scan3A_150#0 {strides = array<i32>} : memref<2x4x128xf32, #tpu.memory_space<vmem>>, vector<16xf32>,
      %swap3A_158 = arith.constant 0 : i32
      %swap3A_159 = arith.constant 1 : i32
      %swap3A_160 = arith.index_cast %swap3A_158 : i32 to index
      %swap3A_161 = arith.index_cast %swap3A_159 : i32 to index
      %swap3A_162 = arith.constant 16 : index
      %swap3A_163 = tpu.vector_load %arg14[%swap3A_160, %swap3A_161, %swap3A_162] {strides = array<i32>} : memref<2x4x128xf32, #tpu.memory_space<vmem>>, vector<16xf32>,
      tpu.vector_store %arg14[%swap3A_160, %swap3A_161, %swap3A_162], %scan3A_150#1 {strides = array<i32>} : memref<2x4x128xf32, #tpu.memory_space<vmem>>, vector<16xf32>,
      %swap3A_164 = arith.constant 0 : i32
      %swap3A_165 = arith.constant 1 : i32
      %swap3A_166 = arith.index_cast %swap3A_164 : i32 to index
      %swap3A_167 = arith.index_cast %swap3A_165 : i32 to index
      %swap3A_168 = arith.constant 32 : index
      %swap3A_169 = tpu.vector_load %arg14[%swap3A_166, %swap3A_167, %swap3A_168] {strides = array<i32>} : memref<2x4x128xf32, #tpu.memory_space<vmem>>, vector<16xf32>,
      tpu.vector_store %arg14[%swap3A_166, %swap3A_167, %swap3A_168], %scan3A_150#2 {strides = array<i32>} : memref<2x4x128xf32, #tpu.memory_space<vmem>>, vector<16xf32>,
      %swap3A_170 = arith.constant 0 : i32
      %swap3A_171 = arith.constant 1 : i32
      %swap3A_172 = arith.index_cast %swap3A_170 : i32 to index
      %swap3A_173 = arith.index_cast %swap3A_171 : i32 to index
      %swap3A_174 = arith.constant 48 : index
      %swap3A_175 = tpu.vector_load %arg14[%swap3A_172, %swap3A_173, %swap3A_174] {strides = array<i32>} : memref<2x4x128xf32, #tpu.memory_space<vmem>>, vector<16xf32>,
      tpu.vector_store %arg14[%swap3A_172, %swap3A_173, %swap3A_174], %scan3A_150#3 {strides = array<i32>} : memref<2x4x128xf32, #tpu.memory_space<vmem>>, vector<16xf32>,
      %swap3A_176 = arith.constant 0 : i32
      %swap3A_177 = arith.constant 1 : i32
      %swap3A_178 = arith.index_cast %swap3A_176 : i32 to index
      %swap3A_179 = arith.index_cast %swap3A_177 : i32 to index
      %swap3A_180 = arith.constant 64 : index
      %swap3A_181 = tpu.vector_load %arg14[%swap3A_178, %swap3A_179, %swap3A_180] {strides = array<i32>} : memref<2x4x128xf32, #tpu.memory_space<vmem>>, vector<16xf32>,
      tpu.vector_store %arg14[%swap3A_178, %swap3A_179, %swap3A_180], %scan3A_150#4 {strides = array<i32>} : memref<2x4x128xf32, #tpu.memory_space<vmem>>, vector<16xf32>,
      %swap3A_182 = arith.constant 0 : i32
      %swap3A_183 = arith.constant 1 : i32
      %swap3A_184 = arith.index_cast %swap3A_182 : i32 to index
      %swap3A_185 = arith.index_cast %swap3A_183 : i32 to index
      %swap3A_186 = arith.constant 80 : index
      %swap3A_187 = tpu.vector_load %arg14[%swap3A_184, %swap3A_185, %swap3A_186] {strides = array<i32>} : memref<2x4x128xf32, #tpu.memory_space<vmem>>, vector<16xf32>,
      tpu.vector_store %arg14[%swap3A_184, %swap3A_185, %swap3A_186], %scan3A_150#5 {strides = array<i32>} : memref<2x4x128xf32, #tpu.memory_space<vmem>>, vector<16xf32>,
      %swap3A_188 = arith.constant 0 : i32
      %swap3A_189 = arith.constant 1 : i32
      %swap3A_190 = arith.index_cast %swap3A_188 : i32 to index
      %swap3A_191 = arith.index_cast %swap3A_189 : i32 to index
      %swap3A_192 = arith.constant 96 : index
      %swap3A_193 = tpu.vector_load %arg14[%swap3A_190, %swap3A_191, %swap3A_192] {strides = array<i32>} : memref<2x4x128xf32, #tpu.memory_space<vmem>>, vector<16xf32>,
      tpu.vector_store %arg14[%swap3A_190, %swap3A_191, %swap3A_192], %scan3A_150#6 {strides = array<i32>} : memref<2x4x128xf32, #tpu.memory_space<vmem>>, vector<16xf32>,
      %swap3A_194 = arith.constant 0 : i32
      %swap3A_195 = arith.constant 1 : i32
      %swap3A_196 = arith.index_cast %swap3A_194 : i32 to index
      %swap3A_197 = arith.index_cast %swap3A_195 : i32 to index
      %swap3A_198 = arith.constant 112 : index
      %swap3A_199 = tpu.vector_load %arg14[%swap3A_196, %swap3A_197, %swap3A_198] {strides = array<i32>} : memref<2x4x128xf32, #tpu.memory_space<vmem>>, vector<16xf32>,
      tpu.vector_store %arg14[%swap3A_196, %swap3A_197, %swap3A_198], %scan3A_150#7 {strides = array<i32>} : memref<2x4x128xf32, #tpu.memory_space<vmem>>, vector<16xf32>,
      %mul3A_200 = arith.constant 4 : i32
      %mul3A_201 = arith.muli %add3A_68, %mul3A_200 : i32
      %add3A_202 = arith.constant 2 : i32
      %add3A_203 = arith.addi %mul3A_201, %add3A_202 : i32
      %broadcast_in_dim3A_204 = arith.constant 0.000000e+00 : f32
      %broadcast_in_dim3A_205 = vector.broadcast %broadcast_in_dim3A_204 : f32 to vector<16xf32>
      %scan3A_206 = arith.constant 0 : i32
      %scan3A_207 = arith.constant 32 : i32
      %scan3A_208 = arith.addi %scan3A_206, %scan3A_207 : i32
      %scan3A_209 = arith.constant 1 : i32
      %scan3A_210:8 = scf.for %scan3A_629 = %scan3A_206 to %scan3A_208 step %scan3A_209 iter_args(%scan3A_630 = %broadcast_in_dim3A_205, %scan3A_631 = %broadcast_in_dim3A_205, %scan3A_632 = %broadcast_in_dim3A_205, %scan3A_633 = %broadcast_in_dim3A_205, %scan3A_634 = %broadcast_in_dim3A_205, %scan3A_635 = %broadcast_in_dim3A_205, %scan3A_636 = %broadcast_in_dim3A_205, %scan3A_637 = %broadcast_in_dim3A_205) -> (vector<16xf32>, vector<16xf32>, vector<16xf32>, vector<16xf32>, vector<16xf32>, vector<16xf32>, vector<16xf32>, vector<16xf32>)  : i32 {
        %mul3A_638 = arith.constant 32 : i32
        %mul3A_639 = arith.muli %add3A_203, %mul3A_638 : i32
        %add3A_640 = arith.addi %mul3A_639, %scan3A_629 : i32
        %broadcast_in_dim3A_641 = vector.broadcast %add3A_640 : i32 to vector<16xi32>
        %gather3A = tpu.vector_load_idx %arg12[%broadcast_in_dim3A_641] : memref<10240xf32, #tpu.memory_space<vmem>>[vector<16xi32>], vector<16xf32>,
        %add3A_642 = arith.constant 64 : i32
        %add3A_643 = arith.addi %add3A_642, %scan3A_629 : i32
        %get3A = arith.constant 0 : i32
        %get3A_644 = arith.index_cast %get3A : i32 to index
        %get3A_645 = arith.index_cast %add3A_643 : i32 to index
        %get3A_646 = arith.constant 0 : index
        %get3A_647 = tpu.vector_load %arg13[%get3A_644, %get3A_645, %get3A_646] {strides = array<i32>} : memref<2x128x128xf32, #tpu.memory_space<vmem>>, vector<16xf32>,
        %mul3A_648 = arith.mulf %gather3A, %get3A_647 : vector<16xf32>
        %add3A_649 = arith.addf %scan3A_630, %mul3A_648 : vector<16xf32>
        %add3A_650 = arith.constant 64 : i32
        %add3A_651 = arith.addi %add3A_650, %scan3A_629 : i32
        %get3A_652 = arith.constant 0 : i32
        %get3A_653 = arith.index_cast %get3A_652 : i32 to index
        %get3A_654 = arith.index_cast %add3A_651 : i32 to index
        %get3A_655 = arith.constant 16 : index
        %get3A_656 = tpu.vector_load %arg13[%get3A_653, %get3A_654, %get3A_655] {strides = array<i32>} : memref<2x128x128xf32, #tpu.memory_space<vmem>>, vector<16xf32>,
        %mul3A_657 = arith.mulf %gather3A, %get3A_656 : vector<16xf32>
        %add3A_658 = arith.addf %scan3A_631, %mul3A_657 : vector<16xf32>
        %add3A_659 = arith.constant 64 : i32
        %add3A_660 = arith.addi %add3A_659, %scan3A_629 : i32
        %get3A_661 = arith.constant 0 : i32
        %get3A_662 = arith.index_cast %get3A_661 : i32 to index
        %get3A_663 = arith.index_cast %add3A_660 : i32 to index
        %get3A_664 = arith.constant 32 : index
        %get3A_665 = tpu.vector_load %arg13[%get3A_662, %get3A_663, %get3A_664] {strides = array<i32>} : memref<2x128x128xf32, #tpu.memory_space<vmem>>, vector<16xf32>,
        %mul3A_666 = arith.mulf %gather3A, %get3A_665 : vector<16xf32>
        %add3A_667 = arith.addf %scan3A_632, %mul3A_666 : vector<16xf32>
        %add3A_668 = arith.constant 64 : i32
        %add3A_669 = arith.addi %add3A_668, %scan3A_629 : i32
        %get3A_670 = arith.constant 0 : i32
        %get3A_671 = arith.index_cast %get3A_670 : i32 to index
        %get3A_672 = arith.index_cast %add3A_669 : i32 to index
        %get3A_673 = arith.constant 48 : index
        %get3A_674 = tpu.vector_load %arg13[%get3A_671, %get3A_672, %get3A_673] {strides = array<i32>} : memref<2x128x128xf32, #tpu.memory_space<vmem>>, vector<16xf32>,
        %mul3A_675 = arith.mulf %gather3A, %get3A_674 : vector<16xf32>
        %add3A_676 = arith.addf %scan3A_633, %mul3A_675 : vector<16xf32>
        %add3A_677 = arith.constant 64 : i32
        %add3A_678 = arith.addi %add3A_677, %scan3A_629 : i32
        %get3A_679 = arith.constant 0 : i32
        %get3A_680 = arith.index_cast %get3A_679 : i32 to index
        %get3A_681 = arith.index_cast %add3A_678 : i32 to index
        %get3A_682 = arith.constant 64 : index
        %get3A_683 = tpu.vector_load %arg13[%get3A_680, %get3A_681, %get3A_682] {strides = array<i32>} : memref<2x128x128xf32, #tpu.memory_space<vmem>>, vector<16xf32>,
        %mul3A_684 = arith.mulf %gather3A, %get3A_683 : vector<16xf32>
        %add3A_685 = arith.addf %scan3A_634, %mul3A_684 : vector<16xf32>
        %add3A_686 = arith.constant 64 : i32
        %add3A_687 = arith.addi %add3A_686, %scan3A_629 : i32
        %get3A_688 = arith.constant 0 : i32
        %get3A_689 = arith.index_cast %get3A_688 : i32 to index
        %get3A_690 = arith.index_cast %add3A_687 : i32 to index
        %get3A_691 = arith.constant 80 : index
        %get3A_692 = tpu.vector_load %arg13[%get3A_689, %get3A_690, %get3A_691] {strides = array<i32>} : memref<2x128x128xf32, #tpu.memory_space<vmem>>, vector<16xf32>,
        %mul3A_693 = arith.mulf %gather3A, %get3A_692 : vector<16xf32>
        %add3A_694 = arith.addf %scan3A_635, %mul3A_693 : vector<16xf32>
        %add3A_695 = arith.constant 64 : i32
        %add3A_696 = arith.addi %add3A_695, %scan3A_629 : i32
        %get3A_697 = arith.constant 0 : i32
        %get3A_698 = arith.index_cast %get3A_697 : i32 to index
        %get3A_699 = arith.index_cast %add3A_696 : i32 to index
        %get3A_700 = arith.constant 96 : index
        %get3A_701 = tpu.vector_load %arg13[%get3A_698, %get3A_699, %get3A_700] {strides = array<i32>} : memref<2x128x128xf32, #tpu.memory_space<vmem>>, vector<16xf32>,
        %mul3A_702 = arith.mulf %gather3A, %get3A_701 : vector<16xf32>
        %add3A_703 = arith.addf %scan3A_636, %mul3A_702 : vector<16xf32>
        %add3A_704 = arith.constant 64 : i32
        %add3A_705 = arith.addi %add3A_704, %scan3A_629 : i32
        %get3A_706 = arith.constant 0 : i32
        %get3A_707 = arith.index_cast %get3A_706 : i32 to index
        %get3A_708 = arith.index_cast %add3A_705 : i32 to index
        %get3A_709 = arith.constant 112 : index
        %get3A_710 = tpu.vector_load %arg13[%get3A_707, %get3A_708, %get3A_709] {strides = array<i32>} : memref<2x128x128xf32, #tpu.memory_space<vmem>>, vector<16xf32>,
        %mul3A_711 = arith.mulf %gather3A, %get3A_710 : vector<16xf32>
        %add3A_712 = arith.addf %scan3A_637, %mul3A_711 : vector<16xf32>
        scf.yield %add3A_649, %add3A_658, %add3A_667, %add3A_676, %add3A_685, %add3A_694, %add3A_703, %add3A_712 : vector<16xf32>, vector<16xf32>, vector<16xf32>, vector<16xf32>, vector<16xf32>, vector<16xf32>, vector<16xf32>, vector<16xf32>
      }
      %scan3A_211 = arith.constant 32 : i32
      %swap3A_212 = arith.constant 0 : i32
      %swap3A_213 = arith.constant 2 : i32
      %swap3A_214 = arith.index_cast %swap3A_212 : i32 to index
      %swap3A_215 = arith.index_cast %swap3A_213 : i32 to index
      %swap3A_216 = arith.constant 0 : index
      %swap3A_217 = tpu.vector_load %arg14[%swap3A_214, %swap3A_215, %swap3A_216] {strides = array<i32>} : memref<2x4x128xf32, #tpu.memory_space<vmem>>, vector<16xf32>,
      tpu.vector_store %arg14[%swap3A_214, %swap3A_215, %swap3A_216], %scan3A_210#0 {strides = array<i32>} : memref<2x4x128xf32, #tpu.memory_space<vmem>>, vector<16xf32>,
      %swap3A_218 = arith.constant 0 : i32
      %swap3A_219 = arith.constant 2 : i32
      %swap3A_220 = arith.index_cast %swap3A_218 : i32 to index
      %swap3A_221 = arith.index_cast %swap3A_219 : i32 to index
      %swap3A_222 = arith.constant 16 : index
      %swap3A_223 = tpu.vector_load %arg14[%swap3A_220, %swap3A_221, %swap3A_222] {strides = array<i32>} : memref<2x4x128xf32, #tpu.memory_space<vmem>>, vector<16xf32>,
      tpu.vector_store %arg14[%swap3A_220, %swap3A_221, %swap3A_222], %scan3A_210#1 {strides = array<i32>} : memref<2x4x128xf32, #tpu.memory_space<vmem>>, vector<16xf32>,
      %swap3A_224 = arith.constant 0 : i32
      %swap3A_225 = arith.constant 2 : i32
      %swap3A_226 = arith.index_cast %swap3A_224 : i32 to index
      %swap3A_227 = arith.index_cast %swap3A_225 : i32 to index
      %swap3A_228 = arith.constant 32 : index
      %swap3A_229 = tpu.vector_load %arg14[%swap3A_226, %swap3A_227, %swap3A_228] {strides = array<i32>} : memref<2x4x128xf32, #tpu.memory_space<vmem>>, vector<16xf32>,
      tpu.vector_store %arg14[%swap3A_226, %swap3A_227, %swap3A_228], %scan3A_210#2 {strides = array<i32>} : memref<2x4x128xf32, #tpu.memory_space<vmem>>, vector<16xf32>,
      %swap3A_230 = arith.constant 0 : i32
      %swap3A_231 = arith.constant 2 : i32
      %swap3A_232 = arith.index_cast %swap3A_230 : i32 to index
      %swap3A_233 = arith.index_cast %swap3A_231 : i32 to index
      %swap3A_234 = arith.constant 48 : index
      %swap3A_235 = tpu.vector_load %arg14[%swap3A_232, %swap3A_233, %swap3A_234] {strides = array<i32>} : memref<2x4x128xf32, #tpu.memory_space<vmem>>, vector<16xf32>,
      tpu.vector_store %arg14[%swap3A_232, %swap3A_233, %swap3A_234], %scan3A_210#3 {strides = array<i32>} : memref<2x4x128xf32, #tpu.memory_space<vmem>>, vector<16xf32>,
      %swap3A_236 = arith.constant 0 : i32
      %swap3A_237 = arith.constant 2 : i32
      %swap3A_238 = arith.index_cast %swap3A_236 : i32 to index
      %swap3A_239 = arith.index_cast %swap3A_237 : i32 to index
      %swap3A_240 = arith.constant 64 : index
      %swap3A_241 = tpu.vector_load %arg14[%swap3A_238, %swap3A_239, %swap3A_240] {strides = array<i32>} : memref<2x4x128xf32, #tpu.memory_space<vmem>>, vector<16xf32>,
      tpu.vector_store %arg14[%swap3A_238, %swap3A_239, %swap3A_240], %scan3A_210#4 {strides = array<i32>} : memref<2x4x128xf32, #tpu.memory_space<vmem>>, vector<16xf32>,
      %swap3A_242 = arith.constant 0 : i32
      %swap3A_243 = arith.constant 2 : i32
      %swap3A_244 = arith.index_cast %swap3A_242 : i32 to index
      %swap3A_245 = arith.index_cast %swap3A_243 : i32 to index
      %swap3A_246 = arith.constant 80 : index
      %swap3A_247 = tpu.vector_load %arg14[%swap3A_244, %swap3A_245, %swap3A_246] {strides = array<i32>} : memref<2x4x128xf32, #tpu.memory_space<vmem>>, vector<16xf32>,
      tpu.vector_store %arg14[%swap3A_244, %swap3A_245, %swap3A_246], %scan3A_210#5 {strides = array<i32>} : memref<2x4x128xf32, #tpu.memory_space<vmem>>, vector<16xf32>,
      %swap3A_248 = arith.constant 0 : i32
      %swap3A_249 = arith.constant 2 : i32
      %swap3A_250 = arith.index_cast %swap3A_248 : i32 to index
      %swap3A_251 = arith.index_cast %swap3A_249 : i32 to index
      %swap3A_252 = arith.constant 96 : index
      %swap3A_253 = tpu.vector_load %arg14[%swap3A_250, %swap3A_251, %swap3A_252] {strides = array<i32>} : memref<2x4x128xf32, #tpu.memory_space<vmem>>, vector<16xf32>,
      tpu.vector_store %arg14[%swap3A_250, %swap3A_251, %swap3A_252], %scan3A_210#6 {strides = array<i32>} : memref<2x4x128xf32, #tpu.memory_space<vmem>>, vector<16xf32>,
      %swap3A_254 = arith.constant 0 : i32
      %swap3A_255 = arith.constant 2 : i32
      %swap3A_256 = arith.index_cast %swap3A_254 : i32 to index
      %swap3A_257 = arith.index_cast %swap3A_255 : i32 to index
      %swap3A_258 = arith.constant 112 : index
      %swap3A_259 = tpu.vector_load %arg14[%swap3A_256, %swap3A_257, %swap3A_258] {strides = array<i32>} : memref<2x4x128xf32, #tpu.memory_space<vmem>>, vector<16xf32>,
      tpu.vector_store %arg14[%swap3A_256, %swap3A_257, %swap3A_258], %scan3A_210#7 {strides = array<i32>} : memref<2x4x128xf32, #tpu.memory_space<vmem>>, vector<16xf32>,
      %mul3A_260 = arith.constant 4 : i32
      %mul3A_261 = arith.muli %add3A_68, %mul3A_260 : i32
      %add3A_262 = arith.constant 3 : i32
      %add3A_263 = arith.addi %mul3A_261, %add3A_262 : i32
      %broadcast_in_dim3A_264 = arith.constant 0.000000e+00 : f32
      %broadcast_in_dim3A_265 = vector.broadcast %broadcast_in_dim3A_264 : f32 to vector<16xf32>
      %scan3A_266 = arith.constant 0 : i32
      %scan3A_267 = arith.constant 32 : i32
      %scan3A_268 = arith.addi %scan3A_266, %scan3A_267 : i32
      %scan3A_269 = arith.constant 1 : i32
      %scan3A_270:8 = scf.for %scan3A_629 = %scan3A_266 to %scan3A_268 step %scan3A_269 iter_args(%scan3A_630 = %broadcast_in_dim3A_265, %scan3A_631 = %broadcast_in_dim3A_265, %scan3A_632 = %broadcast_in_dim3A_265, %scan3A_633 = %broadcast_in_dim3A_265, %scan3A_634 = %broadcast_in_dim3A_265, %scan3A_635 = %broadcast_in_dim3A_265, %scan3A_636 = %broadcast_in_dim3A_265, %scan3A_637 = %broadcast_in_dim3A_265) -> (vector<16xf32>, vector<16xf32>, vector<16xf32>, vector<16xf32>, vector<16xf32>, vector<16xf32>, vector<16xf32>, vector<16xf32>)  : i32 {
        %mul3A_638 = arith.constant 32 : i32
        %mul3A_639 = arith.muli %add3A_263, %mul3A_638 : i32
        %add3A_640 = arith.addi %mul3A_639, %scan3A_629 : i32
        %broadcast_in_dim3A_641 = vector.broadcast %add3A_640 : i32 to vector<16xi32>
        %gather3A = tpu.vector_load_idx %arg12[%broadcast_in_dim3A_641] : memref<10240xf32, #tpu.memory_space<vmem>>[vector<16xi32>], vector<16xf32>,
        %add3A_642 = arith.constant 96 : i32
        %add3A_643 = arith.addi %add3A_642, %scan3A_629 : i32
        %get3A = arith.constant 0 : i32
        %get3A_644 = arith.index_cast %get3A : i32 to index
        %get3A_645 = arith.index_cast %add3A_643 : i32 to index
        %get3A_646 = arith.constant 0 : index
        %get3A_647 = tpu.vector_load %arg13[%get3A_644, %get3A_645, %get3A_646] {strides = array<i32>} : memref<2x128x128xf32, #tpu.memory_space<vmem>>, vector<16xf32>,
        %mul3A_648 = arith.mulf %gather3A, %get3A_647 : vector<16xf32>
        %add3A_649 = arith.addf %scan3A_630, %mul3A_648 : vector<16xf32>
        %add3A_650 = arith.constant 96 : i32
        %add3A_651 = arith.addi %add3A_650, %scan3A_629 : i32
        %get3A_652 = arith.constant 0 : i32
        %get3A_653 = arith.index_cast %get3A_652 : i32 to index
        %get3A_654 = arith.index_cast %add3A_651 : i32 to index
        %get3A_655 = arith.constant 16 : index
        %get3A_656 = tpu.vector_load %arg13[%get3A_653, %get3A_654, %get3A_655] {strides = array<i32>} : memref<2x128x128xf32, #tpu.memory_space<vmem>>, vector<16xf32>,
        %mul3A_657 = arith.mulf %gather3A, %get3A_656 : vector<16xf32>
        %add3A_658 = arith.addf %scan3A_631, %mul3A_657 : vector<16xf32>
        %add3A_659 = arith.constant 96 : i32
        %add3A_660 = arith.addi %add3A_659, %scan3A_629 : i32
        %get3A_661 = arith.constant 0 : i32
        %get3A_662 = arith.index_cast %get3A_661 : i32 to index
        %get3A_663 = arith.index_cast %add3A_660 : i32 to index
        %get3A_664 = arith.constant 32 : index
        %get3A_665 = tpu.vector_load %arg13[%get3A_662, %get3A_663, %get3A_664] {strides = array<i32>} : memref<2x128x128xf32, #tpu.memory_space<vmem>>, vector<16xf32>,
        %mul3A_666 = arith.mulf %gather3A, %get3A_665 : vector<16xf32>
        %add3A_667 = arith.addf %scan3A_632, %mul3A_666 : vector<16xf32>
        %add3A_668 = arith.constant 96 : i32
        %add3A_669 = arith.addi %add3A_668, %scan3A_629 : i32
        %get3A_670 = arith.constant 0 : i32
        %get3A_671 = arith.index_cast %get3A_670 : i32 to index
        %get3A_672 = arith.index_cast %add3A_669 : i32 to index
        %get3A_673 = arith.constant 48 : index
        %get3A_674 = tpu.vector_load %arg13[%get3A_671, %get3A_672, %get3A_673] {strides = array<i32>} : memref<2x128x128xf32, #tpu.memory_space<vmem>>, vector<16xf32>,
        %mul3A_675 = arith.mulf %gather3A, %get3A_674 : vector<16xf32>
        %add3A_676 = arith.addf %scan3A_633, %mul3A_675 : vector<16xf32>
        %add3A_677 = arith.constant 96 : i32
        %add3A_678 = arith.addi %add3A_677, %scan3A_629 : i32
        %get3A_679 = arith.constant 0 : i32
        %get3A_680 = arith.index_cast %get3A_679 : i32 to index
        %get3A_681 = arith.index_cast %add3A_678 : i32 to index
        %get3A_682 = arith.constant 64 : index
        %get3A_683 = tpu.vector_load %arg13[%get3A_680, %get3A_681, %get3A_682] {strides = array<i32>} : memref<2x128x128xf32, #tpu.memory_space<vmem>>, vector<16xf32>,
        %mul3A_684 = arith.mulf %gather3A, %get3A_683 : vector<16xf32>
        %add3A_685 = arith.addf %scan3A_634, %mul3A_684 : vector<16xf32>
        %add3A_686 = arith.constant 96 : i32
        %add3A_687 = arith.addi %add3A_686, %scan3A_629 : i32
        %get3A_688 = arith.constant 0 : i32
        %get3A_689 = arith.index_cast %get3A_688 : i32 to index
        %get3A_690 = arith.index_cast %add3A_687 : i32 to index
        %get3A_691 = arith.constant 80 : index
        %get3A_692 = tpu.vector_load %arg13[%get3A_689, %get3A_690, %get3A_691] {strides = array<i32>} : memref<2x128x128xf32, #tpu.memory_space<vmem>>, vector<16xf32>,
        %mul3A_693 = arith.mulf %gather3A, %get3A_692 : vector<16xf32>
        %add3A_694 = arith.addf %scan3A_635, %mul3A_693 : vector<16xf32>
        %add3A_695 = arith.constant 96 : i32
        %add3A_696 = arith.addi %add3A_695, %scan3A_629 : i32
        %get3A_697 = arith.constant 0 : i32
        %get3A_698 = arith.index_cast %get3A_697 : i32 to index
        %get3A_699 = arith.index_cast %add3A_696 : i32 to index
        %get3A_700 = arith.constant 96 : index
        %get3A_701 = tpu.vector_load %arg13[%get3A_698, %get3A_699, %get3A_700] {strides = array<i32>} : memref<2x128x128xf32, #tpu.memory_space<vmem>>, vector<16xf32>,
        %mul3A_702 = arith.mulf %gather3A, %get3A_701 : vector<16xf32>
        %add3A_703 = arith.addf %scan3A_636, %mul3A_702 : vector<16xf32>
        %add3A_704 = arith.constant 96 : i32
        %add3A_705 = arith.addi %add3A_704, %scan3A_629 : i32
        %get3A_706 = arith.constant 0 : i32
        %get3A_707 = arith.index_cast %get3A_706 : i32 to index
        %get3A_708 = arith.index_cast %add3A_705 : i32 to index
        %get3A_709 = arith.constant 112 : index
        %get3A_710 = tpu.vector_load %arg13[%get3A_707, %get3A_708, %get3A_709] {strides = array<i32>} : memref<2x128x128xf32, #tpu.memory_space<vmem>>, vector<16xf32>,
        %mul3A_711 = arith.mulf %gather3A, %get3A_710 : vector<16xf32>
        %add3A_712 = arith.addf %scan3A_637, %mul3A_711 : vector<16xf32>
        scf.yield %add3A_649, %add3A_658, %add3A_667, %add3A_676, %add3A_685, %add3A_694, %add3A_703, %add3A_712 : vector<16xf32>, vector<16xf32>, vector<16xf32>, vector<16xf32>, vector<16xf32>, vector<16xf32>, vector<16xf32>, vector<16xf32>
      }
      %scan3A_271 = arith.constant 32 : i32
      %swap3A_272 = arith.constant 0 : i32
      %swap3A_273 = arith.constant 3 : i32
      %swap3A_274 = arith.index_cast %swap3A_272 : i32 to index
      %swap3A_275 = arith.index_cast %swap3A_273 : i32 to index
      %swap3A_276 = arith.constant 0 : index
      %swap3A_277 = tpu.vector_load %arg14[%swap3A_274, %swap3A_275, %swap3A_276] {strides = array<i32>} : memref<2x4x128xf32, #tpu.memory_space<vmem>>, vector<16xf32>,
      tpu.vector_store %arg14[%swap3A_274, %swap3A_275, %swap3A_276], %scan3A_270#0 {strides = array<i32>} : memref<2x4x128xf32, #tpu.memory_space<vmem>>, vector<16xf32>,
      %swap3A_278 = arith.constant 0 : i32
      %swap3A_279 = arith.constant 3 : i32
      %swap3A_280 = arith.index_cast %swap3A_278 : i32 to index
      %swap3A_281 = arith.index_cast %swap3A_279 : i32 to index
      %swap3A_282 = arith.constant 16 : index
      %swap3A_283 = tpu.vector_load %arg14[%swap3A_280, %swap3A_281, %swap3A_282] {strides = array<i32>} : memref<2x4x128xf32, #tpu.memory_space<vmem>>, vector<16xf32>,
      tpu.vector_store %arg14[%swap3A_280, %swap3A_281, %swap3A_282], %scan3A_270#1 {strides = array<i32>} : memref<2x4x128xf32, #tpu.memory_space<vmem>>, vector<16xf32>,
      %swap3A_284 = arith.constant 0 : i32
      %swap3A_285 = arith.constant 3 : i32
      %swap3A_286 = arith.index_cast %swap3A_284 : i32 to index
      %swap3A_287 = arith.index_cast %swap3A_285 : i32 to index
      %swap3A_288 = arith.constant 32 : index
      %swap3A_289 = tpu.vector_load %arg14[%swap3A_286, %swap3A_287, %swap3A_288] {strides = array<i32>} : memref<2x4x128xf32, #tpu.memory_space<vmem>>, vector<16xf32>,
      tpu.vector_store %arg14[%swap3A_286, %swap3A_287, %swap3A_288], %scan3A_270#2 {strides = array<i32>} : memref<2x4x128xf32, #tpu.memory_space<vmem>>, vector<16xf32>,
      %swap3A_290 = arith.constant 0 : i32
      %swap3A_291 = arith.constant 3 : i32
      %swap3A_292 = arith.index_cast %swap3A_290 : i32 to index
      %swap3A_293 = arith.index_cast %swap3A_291 : i32 to index
      %swap3A_294 = arith.constant 48 : index
      %swap3A_295 = tpu.vector_load %arg14[%swap3A_292, %swap3A_293, %swap3A_294] {strides = array<i32>} : memref<2x4x128xf32, #tpu.memory_space<vmem>>, vector<16xf32>,
      tpu.vector_store %arg14[%swap3A_292, %swap3A_293, %swap3A_294], %scan3A_270#3 {strides = array<i32>} : memref<2x4x128xf32, #tpu.memory_space<vmem>>, vector<16xf32>,
      %swap3A_296 = arith.constant 0 : i32
      %swap3A_297 = arith.constant 3 : i32
      %swap3A_298 = arith.index_cast %swap3A_296 : i32 to index
      %swap3A_299 = arith.index_cast %swap3A_297 : i32 to index
      %swap3A_300 = arith.constant 64 : index
      %swap3A_301 = tpu.vector_load %arg14[%swap3A_298, %swap3A_299, %swap3A_300] {strides = array<i32>} : memref<2x4x128xf32, #tpu.memory_space<vmem>>, vector<16xf32>,
      tpu.vector_store %arg14[%swap3A_298, %swap3A_299, %swap3A_300], %scan3A_270#4 {strides = array<i32>} : memref<2x4x128xf32, #tpu.memory_space<vmem>>, vector<16xf32>,
      %swap3A_302 = arith.constant 0 : i32
      %swap3A_303 = arith.constant 3 : i32
      %swap3A_304 = arith.index_cast %swap3A_302 : i32 to index
      %swap3A_305 = arith.index_cast %swap3A_303 : i32 to index
      %swap3A_306 = arith.constant 80 : index
      %swap3A_307 = tpu.vector_load %arg14[%swap3A_304, %swap3A_305, %swap3A_306] {strides = array<i32>} : memref<2x4x128xf32, #tpu.memory_space<vmem>>, vector<16xf32>,
      tpu.vector_store %arg14[%swap3A_304, %swap3A_305, %swap3A_306], %scan3A_270#5 {strides = array<i32>} : memref<2x4x128xf32, #tpu.memory_space<vmem>>, vector<16xf32>,
      %swap3A_308 = arith.constant 0 : i32
      %swap3A_309 = arith.constant 3 : i32
      %swap3A_310 = arith.index_cast %swap3A_308 : i32 to index
      %swap3A_311 = arith.index_cast %swap3A_309 : i32 to index
      %swap3A_312 = arith.constant 96 : index
      %swap3A_313 = tpu.vector_load %arg14[%swap3A_310, %swap3A_311, %swap3A_312] {strides = array<i32>} : memref<2x4x128xf32, #tpu.memory_space<vmem>>, vector<16xf32>,
      tpu.vector_store %arg14[%swap3A_310, %swap3A_311, %swap3A_312], %scan3A_270#6 {strides = array<i32>} : memref<2x4x128xf32, #tpu.memory_space<vmem>>, vector<16xf32>,
      %swap3A_314 = arith.constant 0 : i32
      %swap3A_315 = arith.constant 3 : i32
      %swap3A_316 = arith.index_cast %swap3A_314 : i32 to index
      %swap3A_317 = arith.index_cast %swap3A_315 : i32 to index
      %swap3A_318 = arith.constant 112 : index
      %swap3A_319 = tpu.vector_load %arg14[%swap3A_316, %swap3A_317, %swap3A_318] {strides = array<i32>} : memref<2x4x128xf32, #tpu.memory_space<vmem>>, vector<16xf32>,
      tpu.vector_store %arg14[%swap3A_316, %swap3A_317, %swap3A_318], %scan3A_270#7 {strides = array<i32>} : memref<2x4x128xf32, #tpu.memory_space<vmem>>, vector<16xf32>,
      %mul3A_320 = arith.constant 320 : i32
      %mul3A_321 = arith.muli %add3A, %mul3A_320 : i32
      %mul3A_322 = arith.constant 4 : i32
      %mul3A_323 = arith.muli %add3A_68, %mul3A_322 : i32
      %add3A_324 = arith.addi %mul3A_321, %mul3A_323 : i32
      %dma_start3A_325 = arith.constant 0 : i32
      %dma_start3A_326 = arith.constant 0 : i32
      %dma_start3A_327 = arith.constant 0 : i32
      %dma_start3A_328 = tpu.memref_slice %arg14[%dma_start3A_325, %dma_start3A_326, %dma_start3A_327] : memref<2x4x128xf32, #tpu.memory_space<vmem>> -> memref<1x4x128xf32, #tpu.memory_space<vmem>>
      %dma_start3A_329 = tpu.memref_squeeze %dma_start3A_328 : memref<1x4x128xf32, #tpu.memory_space<vmem>> -> memref<4x128xf32, #tpu.memory_space<vmem>>
      %dma_start3A_330 = arith.constant 0 : i32
      %dma_start3A_331 = tpu.memref_slice %arg7[%add3A_324, %dma_start3A_330] : memref<10240x128xf32, #tpu.memory_space<hbm>> -> memref<4x128xf32, #tpu.memory_space<hbm>>
      %dma_start3A_332 = arith.constant 0 : i32
      %dma_start3A_333 = tpu.memref_slice %arg7[%add3A_324, %dma_start3A_332] : memref<10240x128xf32, #tpu.memory_space<hbm>> -> memref<4x128xf32, #tpu.memory_space<hbm>>
      %dma_start3A_334 = arith.constant 0 : i32
      %dma_start3A_335 = arith.constant 0 : i32
      %dma_start3A_336 = tpu.memref_slice %arg14[%dma_start3A_325, %dma_start3A_334, %dma_start3A_335] : memref<2x4x128xf32, #tpu.memory_space<vmem>> -> memref<1x4x128xf32, #tpu.memory_space<vmem>>
      %dma_start3A_337 = tpu.memref_squeeze %dma_start3A_336 : memref<1x4x128xf32, #tpu.memory_space<vmem>> -> memref<4x128xf32, #tpu.memory_space<vmem>>
      tpu.enqueue_dma source(%dma_start3A_337 : memref<4x128xf32, #tpu.memory_space<vmem>>) target(%dma_start3A_333 : memref<4x128xf32, #tpu.memory_space<hbm>>) target_semaphore(%arg17 : memref<!tpu.dma_semaphore, #tpu.memory_space<semaphore_mem>>)
      %add3A_338 = arith.constant 2 : i32
      %add3A_339 = arith.addi %add3A_68, %add3A_338 : i32
      %lt3A = arith.constant 80 : i32
      %lt3A_340 = arith.cmpi slt, %add3A_339, %lt3A : i32
      %convert_element_type3A_341 = arith.extui %lt3A_340 : i1 to i32
      %cond3A_342 = arith.constant 0 : i32
      %cond3A_343 = arith.cmpi ne, %convert_element_type3A_341, %cond3A_342 : i32
      scf.if %cond3A_343 {
        %add3A_629 = arith.constant 2 : i32
        %add3A_630 = arith.addi %add3A_68, %add3A_629 : i32
        %mul3A_631 = arith.constant 128 : i32
        %mul3A_632 = arith.muli %add3A_630, %mul3A_631 : i32
        %dma_start3A_633 = arith.constant 0 : i32
        %dma_start3A_634 = arith.constant 0 : i32
        %dma_start3A_635 = arith.constant 0 : i32
        %dma_start3A_636 = tpu.memref_slice %arg13[%dma_start3A_633, %dma_start3A_634, %dma_start3A_635] : memref<2x128x128xf32, #tpu.memory_space<vmem>> -> memref<1x128x128xf32, #tpu.memory_space<vmem>>
        %dma_start3A_637 = tpu.memref_squeeze %dma_start3A_636 : memref<1x128x128xf32, #tpu.memory_space<vmem>> -> memref<128x128xf32, #tpu.memory_space<vmem>>
        %dma_start3A_638 = tpu.memref_slice %arg10[%mul3A_632] : memref<10240xi32, #tpu.memory_space<vmem>> -> memref<128xi32, #tpu.memory_space<vmem>>
        %dma_start3A_639 = arith.constant 0 : i32
        %dma_start3A_640 = arith.constant 0 : i32
        %dma_start3A_641 = tpu.memref_slice %arg2[%dma_start3A_639, %dma_start3A_640] : memref<10240x128xf32, #tpu.memory_space<hbm>> -> memref<10240x128xf32, #tpu.memory_space<hbm>>
        tpu.enqueue_indirect_dma source(%dma_start3A_641 : memref<10240x128xf32, #tpu.memory_space<hbm>>) target(%dma_start3A_637 : memref<128x128xf32, #tpu.memory_space<vmem>>) offsets(%dma_start3A_638 : memref<128xi32, #tpu.memory_space<vmem>>) semaphore(%arg15 : memref<!tpu.dma_semaphore, #tpu.memory_space<semaphore_mem>>)
      } else {
      }
      %mul3A_344 = arith.constant 2 : i32
      %mul3A_345 = arith.muli %scan3A_64, %mul3A_344 : i32
      %add3A_346 = arith.constant 1 : i32
      %add3A_347 = arith.addi %mul3A_345, %add3A_346 : i32
      %mul3A_348 = arith.constant 128 : i32
      %mul3A_349 = arith.muli %add3A_347, %mul3A_348 : i32
      %dma_wait3A_350 = arith.constant 1 : i32
      %dma_wait3A_351 = arith.constant 0 : i32
      %dma_wait3A_352 = arith.constant 0 : i32
      %dma_wait3A_353 = tpu.memref_slice %arg13[%dma_wait3A_350, %dma_wait3A_351, %dma_wait3A_352] : memref<2x128x128xf32, #tpu.memory_space<vmem>> -> memref<1x128x128xf32, #tpu.memory_space<vmem>>
      %dma_wait3A_354 = tpu.memref_squeeze %dma_wait3A_353 : memref<1x128x128xf32, #tpu.memory_space<vmem>> -> memref<128x128xf32, #tpu.memory_space<vmem>>
      %dma_wait3A_355 = tpu.memref_slice %arg10[%mul3A_349] : memref<10240xi32, #tpu.memory_space<vmem>> -> memref<128xi32, #tpu.memory_space<vmem>>
      %dma_wait3A_356 = arith.constant 0 : i32
      %dma_wait3A_357 = arith.constant 0 : i32
      %dma_wait3A_358 = tpu.memref_slice %arg2[%dma_wait3A_356, %dma_wait3A_357] : memref<10240x128xf32, #tpu.memory_space<hbm>> -> memref<10240x128xf32, #tpu.memory_space<hbm>>
      tpu.wait_indirect_dma semaphore(%arg16 : memref<!tpu.dma_semaphore, #tpu.memory_space<semaphore_mem>>) src(%dma_wait3A_358 : memref<10240x128xf32, #tpu.memory_space<hbm>>) dst(%dma_wait3A_354 : memref<128x128xf32, #tpu.memory_space<vmem>>)
      %ge3A_359 = arith.constant 2 : i32
      %ge3A_360 = arith.cmpi sge, %add3A_347, %ge3A_359 : i32
      %convert_element_type3A_361 = arith.extui %ge3A_360 : i1 to i32
      %cond3A_362 = arith.constant 0 : i32
      %cond3A_363 = arith.cmpi ne, %convert_element_type3A_361, %cond3A_362 : i32
      scf.if %cond3A_363 {
        %sub3A = arith.constant 2 : i32
        %sub3A_629 = arith.subi %add3A_347, %sub3A : i32
        %mul3A_630 = arith.constant 320 : i32
        %mul3A_631 = arith.muli %add3A, %mul3A_630 : i32
        %mul3A_632 = arith.constant 4 : i32
        %mul3A_633 = arith.muli %sub3A_629, %mul3A_632 : i32
        %add3A_634 = arith.addi %mul3A_631, %mul3A_633 : i32
        %dma_wait3A_635 = arith.constant 1 : i32
        %dma_wait3A_636 = arith.constant 0 : i32
        %dma_wait3A_637 = arith.constant 0 : i32
        %dma_wait3A_638 = tpu.memref_slice %arg14[%dma_wait3A_635, %dma_wait3A_636, %dma_wait3A_637] : memref<2x4x128xf32, #tpu.memory_space<vmem>> -> memref<1x4x128xf32, #tpu.memory_space<vmem>>
        %dma_wait3A_639 = tpu.memref_squeeze %dma_wait3A_638 : memref<1x4x128xf32, #tpu.memory_space<vmem>> -> memref<4x128xf32, #tpu.memory_space<vmem>>
        %dma_wait3A_640 = arith.constant 0 : i32
        %dma_wait3A_641 = tpu.memref_slice %arg7[%add3A_634, %dma_wait3A_640] : memref<10240x128xf32, #tpu.memory_space<hbm>> -> memref<4x128xf32, #tpu.memory_space<hbm>>
        %dma_wait3A_642 = arith.constant 0 : i32
        %dma_wait3A_643 = tpu.memref_slice %arg7[%add3A_634, %dma_wait3A_642] : memref<10240x128xf32, #tpu.memory_space<hbm>> -> memref<4x128xf32, #tpu.memory_space<hbm>>
        %dma_wait3A_644 = arith.constant 0 : i32
        %dma_wait3A_645 = arith.constant 0 : i32
        %dma_wait3A_646 = tpu.memref_slice %arg14[%dma_wait3A_635, %dma_wait3A_644, %dma_wait3A_645] : memref<2x4x128xf32, #tpu.memory_space<vmem>> -> memref<1x4x128xf32, #tpu.memory_space<vmem>>
        %dma_wait3A_647 = tpu.memref_squeeze %dma_wait3A_646 : memref<1x4x128xf32, #tpu.memory_space<vmem>> -> memref<4x128xf32, #tpu.memory_space<vmem>>
        tpu.wait_dma2 semaphore(%arg18 : memref<!tpu.dma_semaphore, #tpu.memory_space<semaphore_mem>>) src(%dma_wait3A_647 : memref<4x128xf32, #tpu.memory_space<vmem>>) dst(%dma_wait3A_643 : memref<4x128xf32, #tpu.memory_space<hbm>>)
      } else {
      }
      %mul3A_364 = arith.constant 4 : i32
      %mul3A_365 = arith.muli %add3A_347, %mul3A_364 : i32
      %add3A_366 = arith.constant 0 : i32
      %add3A_367 = arith.addi %mul3A_365, %add3A_366 : i32
      %broadcast_in_dim3A_368 = arith.constant 0.000000e+00 : f32
      %broadcast_in_dim3A_369 = vector.broadcast %broadcast_in_dim3A_368 : f32 to vector<16xf32>
      %scan3A_370 = arith.constant 0 : i32
      %scan3A_371 = arith.constant 32 : i32
      %scan3A_372 = arith.addi %scan3A_370, %scan3A_371 : i32
      %scan3A_373 = arith.constant 1 : i32
      %scan3A_374:8 = scf.for %scan3A_629 = %scan3A_370 to %scan3A_372 step %scan3A_373 iter_args(%scan3A_630 = %broadcast_in_dim3A_369, %scan3A_631 = %broadcast_in_dim3A_369, %scan3A_632 = %broadcast_in_dim3A_369, %scan3A_633 = %broadcast_in_dim3A_369, %scan3A_634 = %broadcast_in_dim3A_369, %scan3A_635 = %broadcast_in_dim3A_369, %scan3A_636 = %broadcast_in_dim3A_369, %scan3A_637 = %broadcast_in_dim3A_369) -> (vector<16xf32>, vector<16xf32>, vector<16xf32>, vector<16xf32>, vector<16xf32>, vector<16xf32>, vector<16xf32>, vector<16xf32>)  : i32 {
        %mul3A_638 = arith.constant 32 : i32
        %mul3A_639 = arith.muli %add3A_367, %mul3A_638 : i32
        %add3A_640 = arith.addi %mul3A_639, %scan3A_629 : i32
        %broadcast_in_dim3A_641 = vector.broadcast %add3A_640 : i32 to vector<16xi32>
        %gather3A = tpu.vector_load_idx %arg12[%broadcast_in_dim3A_641] : memref<10240xf32, #tpu.memory_space<vmem>>[vector<16xi32>], vector<16xf32>,
        %add3A_642 = arith.constant 0 : i32
        %add3A_643 = arith.addi %add3A_642, %scan3A_629 : i32
        %get3A = arith.constant 1 : i32
        %get3A_644 = arith.index_cast %get3A : i32 to index
        %get3A_645 = arith.index_cast %add3A_643 : i32 to index
        %get3A_646 = arith.constant 0 : index
        %get3A_647 = tpu.vector_load %arg13[%get3A_644, %get3A_645, %get3A_646] {strides = array<i32>} : memref<2x128x128xf32, #tpu.memory_space<vmem>>, vector<16xf32>,
        %mul3A_648 = arith.mulf %gather3A, %get3A_647 : vector<16xf32>
        %add3A_649 = arith.addf %scan3A_630, %mul3A_648 : vector<16xf32>
        %add3A_650 = arith.constant 0 : i32
        %add3A_651 = arith.addi %add3A_650, %scan3A_629 : i32
        %get3A_652 = arith.constant 1 : i32
        %get3A_653 = arith.index_cast %get3A_652 : i32 to index
        %get3A_654 = arith.index_cast %add3A_651 : i32 to index
        %get3A_655 = arith.constant 16 : index
        %get3A_656 = tpu.vector_load %arg13[%get3A_653, %get3A_654, %get3A_655] {strides = array<i32>} : memref<2x128x128xf32, #tpu.memory_space<vmem>>, vector<16xf32>,
        %mul3A_657 = arith.mulf %gather3A, %get3A_656 : vector<16xf32>
        %add3A_658 = arith.addf %scan3A_631, %mul3A_657 : vector<16xf32>
        %add3A_659 = arith.constant 0 : i32
        %add3A_660 = arith.addi %add3A_659, %scan3A_629 : i32
        %get3A_661 = arith.constant 1 : i32
        %get3A_662 = arith.index_cast %get3A_661 : i32 to index
        %get3A_663 = arith.index_cast %add3A_660 : i32 to index
        %get3A_664 = arith.constant 32 : index
        %get3A_665 = tpu.vector_load %arg13[%get3A_662, %get3A_663, %get3A_664] {strides = array<i32>} : memref<2x128x128xf32, #tpu.memory_space<vmem>>, vector<16xf32>,
        %mul3A_666 = arith.mulf %gather3A, %get3A_665 : vector<16xf32>
        %add3A_667 = arith.addf %scan3A_632, %mul3A_666 : vector<16xf32>
        %add3A_668 = arith.constant 0 : i32
        %add3A_669 = arith.addi %add3A_668, %scan3A_629 : i32
        %get3A_670 = arith.constant 1 : i32
        %get3A_671 = arith.index_cast %get3A_670 : i32 to index
        %get3A_672 = arith.index_cast %add3A_669 : i32 to index
        %get3A_673 = arith.constant 48 : index
        %get3A_674 = tpu.vector_load %arg13[%get3A_671, %get3A_672, %get3A_673] {strides = array<i32>} : memref<2x128x128xf32, #tpu.memory_space<vmem>>, vector<16xf32>,
        %mul3A_675 = arith.mulf %gather3A, %get3A_674 : vector<16xf32>
        %add3A_676 = arith.addf %scan3A_633, %mul3A_675 : vector<16xf32>
        %add3A_677 = arith.constant 0 : i32
        %add3A_678 = arith.addi %add3A_677, %scan3A_629 : i32
        %get3A_679 = arith.constant 1 : i32
        %get3A_680 = arith.index_cast %get3A_679 : i32 to index
        %get3A_681 = arith.index_cast %add3A_678 : i32 to index
        %get3A_682 = arith.constant 64 : index
        %get3A_683 = tpu.vector_load %arg13[%get3A_680, %get3A_681, %get3A_682] {strides = array<i32>} : memref<2x128x128xf32, #tpu.memory_space<vmem>>, vector<16xf32>,
        %mul3A_684 = arith.mulf %gather3A, %get3A_683 : vector<16xf32>
        %add3A_685 = arith.addf %scan3A_634, %mul3A_684 : vector<16xf32>
        %add3A_686 = arith.constant 0 : i32
        %add3A_687 = arith.addi %add3A_686, %scan3A_629 : i32
        %get3A_688 = arith.constant 1 : i32
        %get3A_689 = arith.index_cast %get3A_688 : i32 to index
        %get3A_690 = arith.index_cast %add3A_687 : i32 to index
        %get3A_691 = arith.constant 80 : index
        %get3A_692 = tpu.vector_load %arg13[%get3A_689, %get3A_690, %get3A_691] {strides = array<i32>} : memref<2x128x128xf32, #tpu.memory_space<vmem>>, vector<16xf32>,
        %mul3A_693 = arith.mulf %gather3A, %get3A_692 : vector<16xf32>
        %add3A_694 = arith.addf %scan3A_635, %mul3A_693 : vector<16xf32>
        %add3A_695 = arith.constant 0 : i32
        %add3A_696 = arith.addi %add3A_695, %scan3A_629 : i32
        %get3A_697 = arith.constant 1 : i32
        %get3A_698 = arith.index_cast %get3A_697 : i32 to index
        %get3A_699 = arith.index_cast %add3A_696 : i32 to index
        %get3A_700 = arith.constant 96 : index
        %get3A_701 = tpu.vector_load %arg13[%get3A_698, %get3A_699, %get3A_700] {strides = array<i32>} : memref<2x128x128xf32, #tpu.memory_space<vmem>>, vector<16xf32>,
        %mul3A_702 = arith.mulf %gather3A, %get3A_701 : vector<16xf32>
        %add3A_703 = arith.addf %scan3A_636, %mul3A_702 : vector<16xf32>
        %add3A_704 = arith.constant 0 : i32
        %add3A_705 = arith.addi %add3A_704, %scan3A_629 : i32
        %get3A_706 = arith.constant 1 : i32
        %get3A_707 = arith.index_cast %get3A_706 : i32 to index
        %get3A_708 = arith.index_cast %add3A_705 : i32 to index
        %get3A_709 = arith.constant 112 : index
        %get3A_710 = tpu.vector_load %arg13[%get3A_707, %get3A_708, %get3A_709] {strides = array<i32>} : memref<2x128x128xf32, #tpu.memory_space<vmem>>, vector<16xf32>,
        %mul3A_711 = arith.mulf %gather3A, %get3A_710 : vector<16xf32>
        %add3A_712 = arith.addf %scan3A_637, %mul3A_711 : vector<16xf32>
        scf.yield %add3A_649, %add3A_658, %add3A_667, %add3A_676, %add3A_685, %add3A_694, %add3A_703, %add3A_712 : vector<16xf32>, vector<16xf32>, vector<16xf32>, vector<16xf32>, vector<16xf32>, vector<16xf32>, vector<16xf32>, vector<16xf32>
      }
      %scan3A_375 = arith.constant 32 : i32
      %swap3A_376 = arith.constant 1 : i32
      %swap3A_377 = arith.constant 0 : i32
      %swap3A_378 = arith.index_cast %swap3A_376 : i32 to index
      %swap3A_379 = arith.index_cast %swap3A_377 : i32 to index
      %swap3A_380 = arith.constant 0 : index
      %swap3A_381 = tpu.vector_load %arg14[%swap3A_378, %swap3A_379, %swap3A_380] {strides = array<i32>} : memref<2x4x128xf32, #tpu.memory_space<vmem>>, vector<16xf32>,
      tpu.vector_store %arg14[%swap3A_378, %swap3A_379, %swap3A_380], %scan3A_374#0 {strides = array<i32>} : memref<2x4x128xf32, #tpu.memory_space<vmem>>, vector<16xf32>,
      %swap3A_382 = arith.constant 1 : i32
      %swap3A_383 = arith.constant 0 : i32
      %swap3A_384 = arith.index_cast %swap3A_382 : i32 to index
      %swap3A_385 = arith.index_cast %swap3A_383 : i32 to index
      %swap3A_386 = arith.constant 16 : index
      %swap3A_387 = tpu.vector_load %arg14[%swap3A_384, %swap3A_385, %swap3A_386] {strides = array<i32>} : memref<2x4x128xf32, #tpu.memory_space<vmem>>, vector<16xf32>,
      tpu.vector_store %arg14[%swap3A_384, %swap3A_385, %swap3A_386], %scan3A_374#1 {strides = array<i32>} : memref<2x4x128xf32, #tpu.memory_space<vmem>>, vector<16xf32>,
      %swap3A_388 = arith.constant 1 : i32
      %swap3A_389 = arith.constant 0 : i32
      %swap3A_390 = arith.index_cast %swap3A_388 : i32 to index
      %swap3A_391 = arith.index_cast %swap3A_389 : i32 to index
      %swap3A_392 = arith.constant 32 : index
      %swap3A_393 = tpu.vector_load %arg14[%swap3A_390, %swap3A_391, %swap3A_392] {strides = array<i32>} : memref<2x4x128xf32, #tpu.memory_space<vmem>>, vector<16xf32>,
      tpu.vector_store %arg14[%swap3A_390, %swap3A_391, %swap3A_392], %scan3A_374#2 {strides = array<i32>} : memref<2x4x128xf32, #tpu.memory_space<vmem>>, vector<16xf32>,
      %swap3A_394 = arith.constant 1 : i32
      %swap3A_395 = arith.constant 0 : i32
      %swap3A_396 = arith.index_cast %swap3A_394 : i32 to index
      %swap3A_397 = arith.index_cast %swap3A_395 : i32 to index
      %swap3A_398 = arith.constant 48 : index
      %swap3A_399 = tpu.vector_load %arg14[%swap3A_396, %swap3A_397, %swap3A_398] {strides = array<i32>} : memref<2x4x128xf32, #tpu.memory_space<vmem>>, vector<16xf32>,
      tpu.vector_store %arg14[%swap3A_396, %swap3A_397, %swap3A_398], %scan3A_374#3 {strides = array<i32>} : memref<2x4x128xf32, #tpu.memory_space<vmem>>, vector<16xf32>,
      %swap3A_400 = arith.constant 1 : i32
      %swap3A_401 = arith.constant 0 : i32
      %swap3A_402 = arith.index_cast %swap3A_400 : i32 to index
      %swap3A_403 = arith.index_cast %swap3A_401 : i32 to index
      %swap3A_404 = arith.constant 64 : index
      %swap3A_405 = tpu.vector_load %arg14[%swap3A_402, %swap3A_403, %swap3A_404] {strides = array<i32>} : memref<2x4x128xf32, #tpu.memory_space<vmem>>, vector<16xf32>,
      tpu.vector_store %arg14[%swap3A_402, %swap3A_403, %swap3A_404], %scan3A_374#4 {strides = array<i32>} : memref<2x4x128xf32, #tpu.memory_space<vmem>>, vector<16xf32>,
      %swap3A_406 = arith.constant 1 : i32
      %swap3A_407 = arith.constant 0 : i32
      %swap3A_408 = arith.index_cast %swap3A_406 : i32 to index
      %swap3A_409 = arith.index_cast %swap3A_407 : i32 to index
      %swap3A_410 = arith.constant 80 : index
      %swap3A_411 = tpu.vector_load %arg14[%swap3A_408, %swap3A_409, %swap3A_410] {strides = array<i32>} : memref<2x4x128xf32, #tpu.memory_space<vmem>>, vector<16xf32>,
      tpu.vector_store %arg14[%swap3A_408, %swap3A_409, %swap3A_410], %scan3A_374#5 {strides = array<i32>} : memref<2x4x128xf32, #tpu.memory_space<vmem>>, vector<16xf32>,
      %swap3A_412 = arith.constant 1 : i32
      %swap3A_413 = arith.constant 0 : i32
      %swap3A_414 = arith.index_cast %swap3A_412 : i32 to index
      %swap3A_415 = arith.index_cast %swap3A_413 : i32 to index
      %swap3A_416 = arith.constant 96 : index
      %swap3A_417 = tpu.vector_load %arg14[%swap3A_414, %swap3A_415, %swap3A_416] {strides = array<i32>} : memref<2x4x128xf32, #tpu.memory_space<vmem>>, vector<16xf32>,
      tpu.vector_store %arg14[%swap3A_414, %swap3A_415, %swap3A_416], %scan3A_374#6 {strides = array<i32>} : memref<2x4x128xf32, #tpu.memory_space<vmem>>, vector<16xf32>,
      %swap3A_418 = arith.constant 1 : i32
      %swap3A_419 = arith.constant 0 : i32
      %swap3A_420 = arith.index_cast %swap3A_418 : i32 to index
      %swap3A_421 = arith.index_cast %swap3A_419 : i32 to index
      %swap3A_422 = arith.constant 112 : index
      %swap3A_423 = tpu.vector_load %arg14[%swap3A_420, %swap3A_421, %swap3A_422] {strides = array<i32>} : memref<2x4x128xf32, #tpu.memory_space<vmem>>, vector<16xf32>,
      tpu.vector_store %arg14[%swap3A_420, %swap3A_421, %swap3A_422], %scan3A_374#7 {strides = array<i32>} : memref<2x4x128xf32, #tpu.memory_space<vmem>>, vector<16xf32>,
      %mul3A_424 = arith.constant 4 : i32
      %mul3A_425 = arith.muli %add3A_347, %mul3A_424 : i32
      %add3A_426 = arith.constant 1 : i32
      %add3A_427 = arith.addi %mul3A_425, %add3A_426 : i32
      %broadcast_in_dim3A_428 = arith.constant 0.000000e+00 : f32
      %broadcast_in_dim3A_429 = vector.broadcast %broadcast_in_dim3A_428 : f32 to vector<16xf32>
      %scan3A_430 = arith.constant 0 : i32
      %scan3A_431 = arith.constant 32 : i32
      %scan3A_432 = arith.addi %scan3A_430, %scan3A_431 : i32
      %scan3A_433 = arith.constant 1 : i32
      %scan3A_434:8 = scf.for %scan3A_629 = %scan3A_430 to %scan3A_432 step %scan3A_433 iter_args(%scan3A_630 = %broadcast_in_dim3A_429, %scan3A_631 = %broadcast_in_dim3A_429, %scan3A_632 = %broadcast_in_dim3A_429, %scan3A_633 = %broadcast_in_dim3A_429, %scan3A_634 = %broadcast_in_dim3A_429, %scan3A_635 = %broadcast_in_dim3A_429, %scan3A_636 = %broadcast_in_dim3A_429, %scan3A_637 = %broadcast_in_dim3A_429) -> (vector<16xf32>, vector<16xf32>, vector<16xf32>, vector<16xf32>, vector<16xf32>, vector<16xf32>, vector<16xf32>, vector<16xf32>)  : i32 {
        %mul3A_638 = arith.constant 32 : i32
        %mul3A_639 = arith.muli %add3A_427, %mul3A_638 : i32
        %add3A_640 = arith.addi %mul3A_639, %scan3A_629 : i32
        %broadcast_in_dim3A_641 = vector.broadcast %add3A_640 : i32 to vector<16xi32>
        %gather3A = tpu.vector_load_idx %arg12[%broadcast_in_dim3A_641] : memref<10240xf32, #tpu.memory_space<vmem>>[vector<16xi32>], vector<16xf32>,
        %add3A_642 = arith.constant 32 : i32
        %add3A_643 = arith.addi %add3A_642, %scan3A_629 : i32
        %get3A = arith.constant 1 : i32
        %get3A_644 = arith.index_cast %get3A : i32 to index
        %get3A_645 = arith.index_cast %add3A_643 : i32 to index
        %get3A_646 = arith.constant 0 : index
        %get3A_647 = tpu.vector_load %arg13[%get3A_644, %get3A_645, %get3A_646] {strides = array<i32>} : memref<2x128x128xf32, #tpu.memory_space<vmem>>, vector<16xf32>,
        %mul3A_648 = arith.mulf %gather3A, %get3A_647 : vector<16xf32>
        %add3A_649 = arith.addf %scan3A_630, %mul3A_648 : vector<16xf32>
        %add3A_650 = arith.constant 32 : i32
        %add3A_651 = arith.addi %add3A_650, %scan3A_629 : i32
        %get3A_652 = arith.constant 1 : i32
        %get3A_653 = arith.index_cast %get3A_652 : i32 to index
        %get3A_654 = arith.index_cast %add3A_651 : i32 to index
        %get3A_655 = arith.constant 16 : index
        %get3A_656 = tpu.vector_load %arg13[%get3A_653, %get3A_654, %get3A_655] {strides = array<i32>} : memref<2x128x128xf32, #tpu.memory_space<vmem>>, vector<16xf32>,
        %mul3A_657 = arith.mulf %gather3A, %get3A_656 : vector<16xf32>
        %add3A_658 = arith.addf %scan3A_631, %mul3A_657 : vector<16xf32>
        %add3A_659 = arith.constant 32 : i32
        %add3A_660 = arith.addi %add3A_659, %scan3A_629 : i32
        %get3A_661 = arith.constant 1 : i32
        %get3A_662 = arith.index_cast %get3A_661 : i32 to index
        %get3A_663 = arith.index_cast %add3A_660 : i32 to index
        %get3A_664 = arith.constant 32 : index
        %get3A_665 = tpu.vector_load %arg13[%get3A_662, %get3A_663, %get3A_664] {strides = array<i32>} : memref<2x128x128xf32, #tpu.memory_space<vmem>>, vector<16xf32>,
        %mul3A_666 = arith.mulf %gather3A, %get3A_665 : vector<16xf32>
        %add3A_667 = arith.addf %scan3A_632, %mul3A_666 : vector<16xf32>
        %add3A_668 = arith.constant 32 : i32
        %add3A_669 = arith.addi %add3A_668, %scan3A_629 : i32
        %get3A_670 = arith.constant 1 : i32
        %get3A_671 = arith.index_cast %get3A_670 : i32 to index
        %get3A_672 = arith.index_cast %add3A_669 : i32 to index
        %get3A_673 = arith.constant 48 : index
        %get3A_674 = tpu.vector_load %arg13[%get3A_671, %get3A_672, %get3A_673] {strides = array<i32>} : memref<2x128x128xf32, #tpu.memory_space<vmem>>, vector<16xf32>,
        %mul3A_675 = arith.mulf %gather3A, %get3A_674 : vector<16xf32>
        %add3A_676 = arith.addf %scan3A_633, %mul3A_675 : vector<16xf32>
        %add3A_677 = arith.constant 32 : i32
        %add3A_678 = arith.addi %add3A_677, %scan3A_629 : i32
        %get3A_679 = arith.constant 1 : i32
        %get3A_680 = arith.index_cast %get3A_679 : i32 to index
        %get3A_681 = arith.index_cast %add3A_678 : i32 to index
        %get3A_682 = arith.constant 64 : index
        %get3A_683 = tpu.vector_load %arg13[%get3A_680, %get3A_681, %get3A_682] {strides = array<i32>} : memref<2x128x128xf32, #tpu.memory_space<vmem>>, vector<16xf32>,
        %mul3A_684 = arith.mulf %gather3A, %get3A_683 : vector<16xf32>
        %add3A_685 = arith.addf %scan3A_634, %mul3A_684 : vector<16xf32>
        %add3A_686 = arith.constant 32 : i32
        %add3A_687 = arith.addi %add3A_686, %scan3A_629 : i32
        %get3A_688 = arith.constant 1 : i32
        %get3A_689 = arith.index_cast %get3A_688 : i32 to index
        %get3A_690 = arith.index_cast %add3A_687 : i32 to index
        %get3A_691 = arith.constant 80 : index
        %get3A_692 = tpu.vector_load %arg13[%get3A_689, %get3A_690, %get3A_691] {strides = array<i32>} : memref<2x128x128xf32, #tpu.memory_space<vmem>>, vector<16xf32>,
        %mul3A_693 = arith.mulf %gather3A, %get3A_692 : vector<16xf32>
        %add3A_694 = arith.addf %scan3A_635, %mul3A_693 : vector<16xf32>
        %add3A_695 = arith.constant 32 : i32
        %add3A_696 = arith.addi %add3A_695, %scan3A_629 : i32
        %get3A_697 = arith.constant 1 : i32
        %get3A_698 = arith.index_cast %get3A_697 : i32 to index
        %get3A_699 = arith.index_cast %add3A_696 : i32 to index
        %get3A_700 = arith.constant 96 : index
        %get3A_701 = tpu.vector_load %arg13[%get3A_698, %get3A_699, %get3A_700] {strides = array<i32>} : memref<2x128x128xf32, #tpu.memory_space<vmem>>, vector<16xf32>,
        %mul3A_702 = arith.mulf %gather3A, %get3A_701 : vector<16xf32>
        %add3A_703 = arith.addf %scan3A_636, %mul3A_702 : vector<16xf32>
        %add3A_704 = arith.constant 32 : i32
        %add3A_705 = arith.addi %add3A_704, %scan3A_629 : i32
        %get3A_706 = arith.constant 1 : i32
        %get3A_707 = arith.index_cast %get3A_706 : i32 to index
        %get3A_708 = arith.index_cast %add3A_705 : i32 to index
        %get3A_709 = arith.constant 112 : index
        %get3A_710 = tpu.vector_load %arg13[%get3A_707, %get3A_708, %get3A_709] {strides = array<i32>} : memref<2x128x128xf32, #tpu.memory_space<vmem>>, vector<16xf32>,
        %mul3A_711 = arith.mulf %gather3A, %get3A_710 : vector<16xf32>
        %add3A_712 = arith.addf %scan3A_637, %mul3A_711 : vector<16xf32>
        scf.yield %add3A_649, %add3A_658, %add3A_667, %add3A_676, %add3A_685, %add3A_694, %add3A_703, %add3A_712 : vector<16xf32>, vector<16xf32>, vector<16xf32>, vector<16xf32>, vector<16xf32>, vector<16xf32>, vector<16xf32>, vector<16xf32>
      }
      %scan3A_435 = arith.constant 32 : i32
      %swap3A_436 = arith.constant 1 : i32
      %swap3A_437 = arith.constant 1 : i32
      %swap3A_438 = arith.index_cast %swap3A_436 : i32 to index
      %swap3A_439 = arith.index_cast %swap3A_437 : i32 to index
      %swap3A_440 = arith.constant 0 : index
      %swap3A_441 = tpu.vector_load %arg14[%swap3A_438, %swap3A_439, %swap3A_440] {strides = array<i32>} : memref<2x4x128xf32, #tpu.memory_space<vmem>>, vector<16xf32>,
      tpu.vector_store %arg14[%swap3A_438, %swap3A_439, %swap3A_440], %scan3A_434#0 {strides = array<i32>} : memref<2x4x128xf32, #tpu.memory_space<vmem>>, vector<16xf32>,
      %swap3A_442 = arith.constant 1 : i32
      %swap3A_443 = arith.constant 1 : i32
      %swap3A_444 = arith.index_cast %swap3A_442 : i32 to index
      %swap3A_445 = arith.index_cast %swap3A_443 : i32 to index
      %swap3A_446 = arith.constant 16 : index
      %swap3A_447 = tpu.vector_load %arg14[%swap3A_444, %swap3A_445, %swap3A_446] {strides = array<i32>} : memref<2x4x128xf32, #tpu.memory_space<vmem>>, vector<16xf32>,
      tpu.vector_store %arg14[%swap3A_444, %swap3A_445, %swap3A_446], %scan3A_434#1 {strides = array<i32>} : memref<2x4x128xf32, #tpu.memory_space<vmem>>, vector<16xf32>,
      %swap3A_448 = arith.constant 1 : i32
      %swap3A_449 = arith.constant 1 : i32
      %swap3A_450 = arith.index_cast %swap3A_448 : i32 to index
      %swap3A_451 = arith.index_cast %swap3A_449 : i32 to index
      %swap3A_452 = arith.constant 32 : index
      %swap3A_453 = tpu.vector_load %arg14[%swap3A_450, %swap3A_451, %swap3A_452] {strides = array<i32>} : memref<2x4x128xf32, #tpu.memory_space<vmem>>, vector<16xf32>,
      tpu.vector_store %arg14[%swap3A_450, %swap3A_451, %swap3A_452], %scan3A_434#2 {strides = array<i32>} : memref<2x4x128xf32, #tpu.memory_space<vmem>>, vector<16xf32>,
      %swap3A_454 = arith.constant 1 : i32
      %swap3A_455 = arith.constant 1 : i32
      %swap3A_456 = arith.index_cast %swap3A_454 : i32 to index
      %swap3A_457 = arith.index_cast %swap3A_455 : i32 to index
      %swap3A_458 = arith.constant 48 : index
      %swap3A_459 = tpu.vector_load %arg14[%swap3A_456, %swap3A_457, %swap3A_458] {strides = array<i32>} : memref<2x4x128xf32, #tpu.memory_space<vmem>>, vector<16xf32>,
      tpu.vector_store %arg14[%swap3A_456, %swap3A_457, %swap3A_458], %scan3A_434#3 {strides = array<i32>} : memref<2x4x128xf32, #tpu.memory_space<vmem>>, vector<16xf32>,
      %swap3A_460 = arith.constant 1 : i32
      %swap3A_461 = arith.constant 1 : i32
      %swap3A_462 = arith.index_cast %swap3A_460 : i32 to index
      %swap3A_463 = arith.index_cast %swap3A_461 : i32 to index
      %swap3A_464 = arith.constant 64 : index
      %swap3A_465 = tpu.vector_load %arg14[%swap3A_462, %swap3A_463, %swap3A_464] {strides = array<i32>} : memref<2x4x128xf32, #tpu.memory_space<vmem>>, vector<16xf32>,
      tpu.vector_store %arg14[%swap3A_462, %swap3A_463, %swap3A_464], %scan3A_434#4 {strides = array<i32>} : memref<2x4x128xf32, #tpu.memory_space<vmem>>, vector<16xf32>,
      %swap3A_466 = arith.constant 1 : i32
      %swap3A_467 = arith.constant 1 : i32
      %swap3A_468 = arith.index_cast %swap3A_466 : i32 to index
      %swap3A_469 = arith.index_cast %swap3A_467 : i32 to index
      %swap3A_470 = arith.constant 80 : index
      %swap3A_471 = tpu.vector_load %arg14[%swap3A_468, %swap3A_469, %swap3A_470] {strides = array<i32>} : memref<2x4x128xf32, #tpu.memory_space<vmem>>, vector<16xf32>,
      tpu.vector_store %arg14[%swap3A_468, %swap3A_469, %swap3A_470], %scan3A_434#5 {strides = array<i32>} : memref<2x4x128xf32, #tpu.memory_space<vmem>>, vector<16xf32>,
      %swap3A_472 = arith.constant 1 : i32
      %swap3A_473 = arith.constant 1 : i32
      %swap3A_474 = arith.index_cast %swap3A_472 : i32 to index
      %swap3A_475 = arith.index_cast %swap3A_473 : i32 to index
      %swap3A_476 = arith.constant 96 : index
      %swap3A_477 = tpu.vector_load %arg14[%swap3A_474, %swap3A_475, %swap3A_476] {strides = array<i32>} : memref<2x4x128xf32, #tpu.memory_space<vmem>>, vector<16xf32>,
      tpu.vector_store %arg14[%swap3A_474, %swap3A_475, %swap3A_476], %scan3A_434#6 {strides = array<i32>} : memref<2x4x128xf32, #tpu.memory_space<vmem>>, vector<16xf32>,
      %swap3A_478 = arith.constant 1 : i32
      %swap3A_479 = arith.constant 1 : i32
      %swap3A_480 = arith.index_cast %swap3A_478 : i32 to index
      %swap3A_481 = arith.index_cast %swap3A_479 : i32 to index
      %swap3A_482 = arith.constant 112 : index
      %swap3A_483 = tpu.vector_load %arg14[%swap3A_480, %swap3A_481, %swap3A_482] {strides = array<i32>} : memref<2x4x128xf32, #tpu.memory_space<vmem>>, vector<16xf32>,
      tpu.vector_store %arg14[%swap3A_480, %swap3A_481, %swap3A_482], %scan3A_434#7 {strides = array<i32>} : memref<2x4x128xf32, #tpu.memory_space<vmem>>, vector<16xf32>,
      %mul3A_484 = arith.constant 4 : i32
      %mul3A_485 = arith.muli %add3A_347, %mul3A_484 : i32
      %add3A_486 = arith.constant 2 : i32
      %add3A_487 = arith.addi %mul3A_485, %add3A_486 : i32
      %broadcast_in_dim3A_488 = arith.constant 0.000000e+00 : f32
      %broadcast_in_dim3A_489 = vector.broadcast %broadcast_in_dim3A_488 : f32 to vector<16xf32>
      %scan3A_490 = arith.constant 0 : i32
      %scan3A_491 = arith.constant 32 : i32
      %scan3A_492 = arith.addi %scan3A_490, %scan3A_491 : i32
      %scan3A_493 = arith.constant 1 : i32
      %scan3A_494:8 = scf.for %scan3A_629 = %scan3A_490 to %scan3A_492 step %scan3A_493 iter_args(%scan3A_630 = %broadcast_in_dim3A_489, %scan3A_631 = %broadcast_in_dim3A_489, %scan3A_632 = %broadcast_in_dim3A_489, %scan3A_633 = %broadcast_in_dim3A_489, %scan3A_634 = %broadcast_in_dim3A_489, %scan3A_635 = %broadcast_in_dim3A_489, %scan3A_636 = %broadcast_in_dim3A_489, %scan3A_637 = %broadcast_in_dim3A_489) -> (vector<16xf32>, vector<16xf32>, vector<16xf32>, vector<16xf32>, vector<16xf32>, vector<16xf32>, vector<16xf32>, vector<16xf32>)  : i32 {
        %mul3A_638 = arith.constant 32 : i32
        %mul3A_639 = arith.muli %add3A_487, %mul3A_638 : i32
        %add3A_640 = arith.addi %mul3A_639, %scan3A_629 : i32
        %broadcast_in_dim3A_641 = vector.broadcast %add3A_640 : i32 to vector<16xi32>
        %gather3A = tpu.vector_load_idx %arg12[%broadcast_in_dim3A_641] : memref<10240xf32, #tpu.memory_space<vmem>>[vector<16xi32>], vector<16xf32>,
        %add3A_642 = arith.constant 64 : i32
        %add3A_643 = arith.addi %add3A_642, %scan3A_629 : i32
        %get3A = arith.constant 1 : i32
        %get3A_644 = arith.index_cast %get3A : i32 to index
        %get3A_645 = arith.index_cast %add3A_643 : i32 to index
        %get3A_646 = arith.constant 0 : index
        %get3A_647 = tpu.vector_load %arg13[%get3A_644, %get3A_645, %get3A_646] {strides = array<i32>} : memref<2x128x128xf32, #tpu.memory_space<vmem>>, vector<16xf32>,
        %mul3A_648 = arith.mulf %gather3A, %get3A_647 : vector<16xf32>
        %add3A_649 = arith.addf %scan3A_630, %mul3A_648 : vector<16xf32>
        %add3A_650 = arith.constant 64 : i32
        %add3A_651 = arith.addi %add3A_650, %scan3A_629 : i32
        %get3A_652 = arith.constant 1 : i32
        %get3A_653 = arith.index_cast %get3A_652 : i32 to index
        %get3A_654 = arith.index_cast %add3A_651 : i32 to index
        %get3A_655 = arith.constant 16 : index
        %get3A_656 = tpu.vector_load %arg13[%get3A_653, %get3A_654, %get3A_655] {strides = array<i32>} : memref<2x128x128xf32, #tpu.memory_space<vmem>>, vector<16xf32>,
        %mul3A_657 = arith.mulf %gather3A, %get3A_656 : vector<16xf32>
        %add3A_658 = arith.addf %scan3A_631, %mul3A_657 : vector<16xf32>
        %add3A_659 = arith.constant 64 : i32
        %add3A_660 = arith.addi %add3A_659, %scan3A_629 : i32
        %get3A_661 = arith.constant 1 : i32
        %get3A_662 = arith.index_cast %get3A_661 : i32 to index
        %get3A_663 = arith.index_cast %add3A_660 : i32 to index
        %get3A_664 = arith.constant 32 : index
        %get3A_665 = tpu.vector_load %arg13[%get3A_662, %get3A_663, %get3A_664] {strides = array<i32>} : memref<2x128x128xf32, #tpu.memory_space<vmem>>, vector<16xf32>,
        %mul3A_666 = arith.mulf %gather3A, %get3A_665 : vector<16xf32>
        %add3A_667 = arith.addf %scan3A_632, %mul3A_666 : vector<16xf32>
        %add3A_668 = arith.constant 64 : i32
        %add3A_669 = arith.addi %add3A_668, %scan3A_629 : i32
        %get3A_670 = arith.constant 1 : i32
        %get3A_671 = arith.index_cast %get3A_670 : i32 to index
        %get3A_672 = arith.index_cast %add3A_669 : i32 to index
        %get3A_673 = arith.constant 48 : index
        %get3A_674 = tpu.vector_load %arg13[%get3A_671, %get3A_672, %get3A_673] {strides = array<i32>} : memref<2x128x128xf32, #tpu.memory_space<vmem>>, vector<16xf32>,
        %mul3A_675 = arith.mulf %gather3A, %get3A_674 : vector<16xf32>
        %add3A_676 = arith.addf %scan3A_633, %mul3A_675 : vector<16xf32>
        %add3A_677 = arith.constant 64 : i32
        %add3A_678 = arith.addi %add3A_677, %scan3A_629 : i32
        %get3A_679 = arith.constant 1 : i32
        %get3A_680 = arith.index_cast %get3A_679 : i32 to index
        %get3A_681 = arith.index_cast %add3A_678 : i32 to index
        %get3A_682 = arith.constant 64 : index
        %get3A_683 = tpu.vector_load %arg13[%get3A_680, %get3A_681, %get3A_682] {strides = array<i32>} : memref<2x128x128xf32, #tpu.memory_space<vmem>>, vector<16xf32>,
        %mul3A_684 = arith.mulf %gather3A, %get3A_683 : vector<16xf32>
        %add3A_685 = arith.addf %scan3A_634, %mul3A_684 : vector<16xf32>
        %add3A_686 = arith.constant 64 : i32
        %add3A_687 = arith.addi %add3A_686, %scan3A_629 : i32
        %get3A_688 = arith.constant 1 : i32
        %get3A_689 = arith.index_cast %get3A_688 : i32 to index
        %get3A_690 = arith.index_cast %add3A_687 : i32 to index
        %get3A_691 = arith.constant 80 : index
        %get3A_692 = tpu.vector_load %arg13[%get3A_689, %get3A_690, %get3A_691] {strides = array<i32>} : memref<2x128x128xf32, #tpu.memory_space<vmem>>, vector<16xf32>,
        %mul3A_693 = arith.mulf %gather3A, %get3A_692 : vector<16xf32>
        %add3A_694 = arith.addf %scan3A_635, %mul3A_693 : vector<16xf32>
        %add3A_695 = arith.constant 64 : i32
        %add3A_696 = arith.addi %add3A_695, %scan3A_629 : i32
        %get3A_697 = arith.constant 1 : i32
        %get3A_698 = arith.index_cast %get3A_697 : i32 to index
        %get3A_699 = arith.index_cast %add3A_696 : i32 to index
        %get3A_700 = arith.constant 96 : index
        %get3A_701 = tpu.vector_load %arg13[%get3A_698, %get3A_699, %get3A_700] {strides = array<i32>} : memref<2x128x128xf32, #tpu.memory_space<vmem>>, vector<16xf32>,
        %mul3A_702 = arith.mulf %gather3A, %get3A_701 : vector<16xf32>
        %add3A_703 = arith.addf %scan3A_636, %mul3A_702 : vector<16xf32>
        %add3A_704 = arith.constant 64 : i32
        %add3A_705 = arith.addi %add3A_704, %scan3A_629 : i32
        %get3A_706 = arith.constant 1 : i32
        %get3A_707 = arith.index_cast %get3A_706 : i32 to index
        %get3A_708 = arith.index_cast %add3A_705 : i32 to index
        %get3A_709 = arith.constant 112 : index
        %get3A_710 = tpu.vector_load %arg13[%get3A_707, %get3A_708, %get3A_709] {strides = array<i32>} : memref<2x128x128xf32, #tpu.memory_space<vmem>>, vector<16xf32>,
        %mul3A_711 = arith.mulf %gather3A, %get3A_710 : vector<16xf32>
        %add3A_712 = arith.addf %scan3A_637, %mul3A_711 : vector<16xf32>
        scf.yield %add3A_649, %add3A_658, %add3A_667, %add3A_676, %add3A_685, %add3A_694, %add3A_703, %add3A_712 : vector<16xf32>, vector<16xf32>, vector<16xf32>, vector<16xf32>, vector<16xf32>, vector<16xf32>, vector<16xf32>, vector<16xf32>
      }
      %scan3A_495 = arith.constant 32 : i32
      %swap3A_496 = arith.constant 1 : i32
      %swap3A_497 = arith.constant 2 : i32
      %swap3A_498 = arith.index_cast %swap3A_496 : i32 to index
      %swap3A_499 = arith.index_cast %swap3A_497 : i32 to index
      %swap3A_500 = arith.constant 0 : index
      %swap3A_501 = tpu.vector_load %arg14[%swap3A_498, %swap3A_499, %swap3A_500] {strides = array<i32>} : memref<2x4x128xf32, #tpu.memory_space<vmem>>, vector<16xf32>,
      tpu.vector_store %arg14[%swap3A_498, %swap3A_499, %swap3A_500], %scan3A_494#0 {strides = array<i32>} : memref<2x4x128xf32, #tpu.memory_space<vmem>>, vector<16xf32>,
      %swap3A_502 = arith.constant 1 : i32
      %swap3A_503 = arith.constant 2 : i32
      %swap3A_504 = arith.index_cast %swap3A_502 : i32 to index
      %swap3A_505 = arith.index_cast %swap3A_503 : i32 to index
      %swap3A_506 = arith.constant 16 : index
      %swap3A_507 = tpu.vector_load %arg14[%swap3A_504, %swap3A_505, %swap3A_506] {strides = array<i32>} : memref<2x4x128xf32, #tpu.memory_space<vmem>>, vector<16xf32>,
      tpu.vector_store %arg14[%swap3A_504, %swap3A_505, %swap3A_506], %scan3A_494#1 {strides = array<i32>} : memref<2x4x128xf32, #tpu.memory_space<vmem>>, vector<16xf32>,
      %swap3A_508 = arith.constant 1 : i32
      %swap3A_509 = arith.constant 2 : i32
      %swap3A_510 = arith.index_cast %swap3A_508 : i32 to index
      %swap3A_511 = arith.index_cast %swap3A_509 : i32 to index
      %swap3A_512 = arith.constant 32 : index
      %swap3A_513 = tpu.vector_load %arg14[%swap3A_510, %swap3A_511, %swap3A_512] {strides = array<i32>} : memref<2x4x128xf32, #tpu.memory_space<vmem>>, vector<16xf32>,
      tpu.vector_store %arg14[%swap3A_510, %swap3A_511, %swap3A_512], %scan3A_494#2 {strides = array<i32>} : memref<2x4x128xf32, #tpu.memory_space<vmem>>, vector<16xf32>,
      %swap3A_514 = arith.constant 1 : i32
      %swap3A_515 = arith.constant 2 : i32
      %swap3A_516 = arith.index_cast %swap3A_514 : i32 to index
      %swap3A_517 = arith.index_cast %swap3A_515 : i32 to index
      %swap3A_518 = arith.constant 48 : index
      %swap3A_519 = tpu.vector_load %arg14[%swap3A_516, %swap3A_517, %swap3A_518] {strides = array<i32>} : memref<2x4x128xf32, #tpu.memory_space<vmem>>, vector<16xf32>,
      tpu.vector_store %arg14[%swap3A_516, %swap3A_517, %swap3A_518], %scan3A_494#3 {strides = array<i32>} : memref<2x4x128xf32, #tpu.memory_space<vmem>>, vector<16xf32>,
      %swap3A_520 = arith.constant 1 : i32
      %swap3A_521 = arith.constant 2 : i32
      %swap3A_522 = arith.index_cast %swap3A_520 : i32 to index
      %swap3A_523 = arith.index_cast %swap3A_521 : i32 to index
      %swap3A_524 = arith.constant 64 : index
      %swap3A_525 = tpu.vector_load %arg14[%swap3A_522, %swap3A_523, %swap3A_524] {strides = array<i32>} : memref<2x4x128xf32, #tpu.memory_space<vmem>>, vector<16xf32>,
      tpu.vector_store %arg14[%swap3A_522, %swap3A_523, %swap3A_524], %scan3A_494#4 {strides = array<i32>} : memref<2x4x128xf32, #tpu.memory_space<vmem>>, vector<16xf32>,
      %swap3A_526 = arith.constant 1 : i32
      %swap3A_527 = arith.constant 2 : i32
      %swap3A_528 = arith.index_cast %swap3A_526 : i32 to index
      %swap3A_529 = arith.index_cast %swap3A_527 : i32 to index
      %swap3A_530 = arith.constant 80 : index
      %swap3A_531 = tpu.vector_load %arg14[%swap3A_528, %swap3A_529, %swap3A_530] {strides = array<i32>} : memref<2x4x128xf32, #tpu.memory_space<vmem>>, vector<16xf32>,
      tpu.vector_store %arg14[%swap3A_528, %swap3A_529, %swap3A_530], %scan3A_494#5 {strides = array<i32>} : memref<2x4x128xf32, #tpu.memory_space<vmem>>, vector<16xf32>,
      %swap3A_532 = arith.constant 1 : i32
      %swap3A_533 = arith.constant 2 : i32
      %swap3A_534 = arith.index_cast %swap3A_532 : i32 to index
      %swap3A_535 = arith.index_cast %swap3A_533 : i32 to index
      %swap3A_536 = arith.constant 96 : index
      %swap3A_537 = tpu.vector_load %arg14[%swap3A_534, %swap3A_535, %swap3A_536] {strides = array<i32>} : memref<2x4x128xf32, #tpu.memory_space<vmem>>, vector<16xf32>,
      tpu.vector_store %arg14[%swap3A_534, %swap3A_535, %swap3A_536], %scan3A_494#6 {strides = array<i32>} : memref<2x4x128xf32, #tpu.memory_space<vmem>>, vector<16xf32>,
      %swap3A_538 = arith.constant 1 : i32
      %swap3A_539 = arith.constant 2 : i32
      %swap3A_540 = arith.index_cast %swap3A_538 : i32 to index
      %swap3A_541 = arith.index_cast %swap3A_539 : i32 to index
      %swap3A_542 = arith.constant 112 : index
      %swap3A_543 = tpu.vector_load %arg14[%swap3A_540, %swap3A_541, %swap3A_542] {strides = array<i32>} : memref<2x4x128xf32, #tpu.memory_space<vmem>>, vector<16xf32>,
      tpu.vector_store %arg14[%swap3A_540, %swap3A_541, %swap3A_542], %scan3A_494#7 {strides = array<i32>} : memref<2x4x128xf32, #tpu.memory_space<vmem>>, vector<16xf32>,
      %mul3A_544 = arith.constant 4 : i32
      %mul3A_545 = arith.muli %add3A_347, %mul3A_544 : i32
      %add3A_546 = arith.constant 3 : i32
      %add3A_547 = arith.addi %mul3A_545, %add3A_546 : i32
      %broadcast_in_dim3A_548 = arith.constant 0.000000e+00 : f32
      %broadcast_in_dim3A_549 = vector.broadcast %broadcast_in_dim3A_548 : f32 to vector<16xf32>
      %scan3A_550 = arith.constant 0 : i32
      %scan3A_551 = arith.constant 32 : i32
      %scan3A_552 = arith.addi %scan3A_550, %scan3A_551 : i32
      %scan3A_553 = arith.constant 1 : i32
      %scan3A_554:8 = scf.for %scan3A_629 = %scan3A_550 to %scan3A_552 step %scan3A_553 iter_args(%scan3A_630 = %broadcast_in_dim3A_549, %scan3A_631 = %broadcast_in_dim3A_549, %scan3A_632 = %broadcast_in_dim3A_549, %scan3A_633 = %broadcast_in_dim3A_549, %scan3A_634 = %broadcast_in_dim3A_549, %scan3A_635 = %broadcast_in_dim3A_549, %scan3A_636 = %broadcast_in_dim3A_549, %scan3A_637 = %broadcast_in_dim3A_549) -> (vector<16xf32>, vector<16xf32>, vector<16xf32>, vector<16xf32>, vector<16xf32>, vector<16xf32>, vector<16xf32>, vector<16xf32>)  : i32 {
        %mul3A_638 = arith.constant 32 : i32
        %mul3A_639 = arith.muli %add3A_547, %mul3A_638 : i32
        %add3A_640 = arith.addi %mul3A_639, %scan3A_629 : i32
        %broadcast_in_dim3A_641 = vector.broadcast %add3A_640 : i32 to vector<16xi32>
        %gather3A = tpu.vector_load_idx %arg12[%broadcast_in_dim3A_641] : memref<10240xf32, #tpu.memory_space<vmem>>[vector<16xi32>], vector<16xf32>,
        %add3A_642 = arith.constant 96 : i32
        %add3A_643 = arith.addi %add3A_642, %scan3A_629 : i32
        %get3A = arith.constant 1 : i32
        %get3A_644 = arith.index_cast %get3A : i32 to index
        %get3A_645 = arith.index_cast %add3A_643 : i32 to index
        %get3A_646 = arith.constant 0 : index
        %get3A_647 = tpu.vector_load %arg13[%get3A_644, %get3A_645, %get3A_646] {strides = array<i32>} : memref<2x128x128xf32, #tpu.memory_space<vmem>>, vector<16xf32>,
        %mul3A_648 = arith.mulf %gather3A, %get3A_647 : vector<16xf32>
        %add3A_649 = arith.addf %scan3A_630, %mul3A_648 : vector<16xf32>
        %add3A_650 = arith.constant 96 : i32
        %add3A_651 = arith.addi %add3A_650, %scan3A_629 : i32
        %get3A_652 = arith.constant 1 : i32
        %get3A_653 = arith.index_cast %get3A_652 : i32 to index
        %get3A_654 = arith.index_cast %add3A_651 : i32 to index
        %get3A_655 = arith.constant 16 : index
        %get3A_656 = tpu.vector_load %arg13[%get3A_653, %get3A_654, %get3A_655] {strides = array<i32>} : memref<2x128x128xf32, #tpu.memory_space<vmem>>, vector<16xf32>,
        %mul3A_657 = arith.mulf %gather3A, %get3A_656 : vector<16xf32>
        %add3A_658 = arith.addf %scan3A_631, %mul3A_657 : vector<16xf32>
        %add3A_659 = arith.constant 96 : i32
        %add3A_660 = arith.addi %add3A_659, %scan3A_629 : i32
        %get3A_661 = arith.constant 1 : i32
        %get3A_662 = arith.index_cast %get3A_661 : i32 to index
        %get3A_663 = arith.index_cast %add3A_660 : i32 to index
        %get3A_664 = arith.constant 32 : index
        %get3A_665 = tpu.vector_load %arg13[%get3A_662, %get3A_663, %get3A_664] {strides = array<i32>} : memref<2x128x128xf32, #tpu.memory_space<vmem>>, vector<16xf32>,
        %mul3A_666 = arith.mulf %gather3A, %get3A_665 : vector<16xf32>
        %add3A_667 = arith.addf %scan3A_632, %mul3A_666 : vector<16xf32>
        %add3A_668 = arith.constant 96 : i32
        %add3A_669 = arith.addi %add3A_668, %scan3A_629 : i32
        %get3A_670 = arith.constant 1 : i32
        %get3A_671 = arith.index_cast %get3A_670 : i32 to index
        %get3A_672 = arith.index_cast %add3A_669 : i32 to index
        %get3A_673 = arith.constant 48 : index
        %get3A_674 = tpu.vector_load %arg13[%get3A_671, %get3A_672, %get3A_673] {strides = array<i32>} : memref<2x128x128xf32, #tpu.memory_space<vmem>>, vector<16xf32>,
        %mul3A_675 = arith.mulf %gather3A, %get3A_674 : vector<16xf32>
        %add3A_676 = arith.addf %scan3A_633, %mul3A_675 : vector<16xf32>
        %add3A_677 = arith.constant 96 : i32
        %add3A_678 = arith.addi %add3A_677, %scan3A_629 : i32
        %get3A_679 = arith.constant 1 : i32
        %get3A_680 = arith.index_cast %get3A_679 : i32 to index
        %get3A_681 = arith.index_cast %add3A_678 : i32 to index
        %get3A_682 = arith.constant 64 : index
        %get3A_683 = tpu.vector_load %arg13[%get3A_680, %get3A_681, %get3A_682] {strides = array<i32>} : memref<2x128x128xf32, #tpu.memory_space<vmem>>, vector<16xf32>,
        %mul3A_684 = arith.mulf %gather3A, %get3A_683 : vector<16xf32>
        %add3A_685 = arith.addf %scan3A_634, %mul3A_684 : vector<16xf32>
        %add3A_686 = arith.constant 96 : i32
        %add3A_687 = arith.addi %add3A_686, %scan3A_629 : i32
        %get3A_688 = arith.constant 1 : i32
        %get3A_689 = arith.index_cast %get3A_688 : i32 to index
        %get3A_690 = arith.index_cast %add3A_687 : i32 to index
        %get3A_691 = arith.constant 80 : index
        %get3A_692 = tpu.vector_load %arg13[%get3A_689, %get3A_690, %get3A_691] {strides = array<i32>} : memref<2x128x128xf32, #tpu.memory_space<vmem>>, vector<16xf32>,
        %mul3A_693 = arith.mulf %gather3A, %get3A_692 : vector<16xf32>
        %add3A_694 = arith.addf %scan3A_635, %mul3A_693 : vector<16xf32>
        %add3A_695 = arith.constant 96 : i32
        %add3A_696 = arith.addi %add3A_695, %scan3A_629 : i32
        %get3A_697 = arith.constant 1 : i32
        %get3A_698 = arith.index_cast %get3A_697 : i32 to index
        %get3A_699 = arith.index_cast %add3A_696 : i32 to index
        %get3A_700 = arith.constant 96 : index
        %get3A_701 = tpu.vector_load %arg13[%get3A_698, %get3A_699, %get3A_700] {strides = array<i32>} : memref<2x128x128xf32, #tpu.memory_space<vmem>>, vector<16xf32>,
        %mul3A_702 = arith.mulf %gather3A, %get3A_701 : vector<16xf32>
        %add3A_703 = arith.addf %scan3A_636, %mul3A_702 : vector<16xf32>
        %add3A_704 = arith.constant 96 : i32
        %add3A_705 = arith.addi %add3A_704, %scan3A_629 : i32
        %get3A_706 = arith.constant 1 : i32
        %get3A_707 = arith.index_cast %get3A_706 : i32 to index
        %get3A_708 = arith.index_cast %add3A_705 : i32 to index
        %get3A_709 = arith.constant 112 : index
        %get3A_710 = tpu.vector_load %arg13[%get3A_707, %get3A_708, %get3A_709] {strides = array<i32>} : memref<2x128x128xf32, #tpu.memory_space<vmem>>, vector<16xf32>,
        %mul3A_711 = arith.mulf %gather3A, %get3A_710 : vector<16xf32>
        %add3A_712 = arith.addf %scan3A_637, %mul3A_711 : vector<16xf32>
        scf.yield %add3A_649, %add3A_658, %add3A_667, %add3A_676, %add3A_685, %add3A_694, %add3A_703, %add3A_712 : vector<16xf32>, vector<16xf32>, vector<16xf32>, vector<16xf32>, vector<16xf32>, vector<16xf32>, vector<16xf32>, vector<16xf32>
      }
      %scan3A_555 = arith.constant 32 : i32
      %swap3A_556 = arith.constant 1 : i32
      %swap3A_557 = arith.constant 3 : i32
      %swap3A_558 = arith.index_cast %swap3A_556 : i32 to index
      %swap3A_559 = arith.index_cast %swap3A_557 : i32 to index
      %swap3A_560 = arith.constant 0 : index
      %swap3A_561 = tpu.vector_load %arg14[%swap3A_558, %swap3A_559, %swap3A_560] {strides = array<i32>} : memref<2x4x128xf32, #tpu.memory_space<vmem>>, vector<16xf32>,
      tpu.vector_store %arg14[%swap3A_558, %swap3A_559, %swap3A_560], %scan3A_554#0 {strides = array<i32>} : memref<2x4x128xf32, #tpu.memory_space<vmem>>, vector<16xf32>,
      %swap3A_562 = arith.constant 1 : i32
      %swap3A_563 = arith.constant 3 : i32
      %swap3A_564 = arith.index_cast %swap3A_562 : i32 to index
      %swap3A_565 = arith.index_cast %swap3A_563 : i32 to index
      %swap3A_566 = arith.constant 16 : index
      %swap3A_567 = tpu.vector_load %arg14[%swap3A_564, %swap3A_565, %swap3A_566] {strides = array<i32>} : memref<2x4x128xf32, #tpu.memory_space<vmem>>, vector<16xf32>,
      tpu.vector_store %arg14[%swap3A_564, %swap3A_565, %swap3A_566], %scan3A_554#1 {strides = array<i32>} : memref<2x4x128xf32, #tpu.memory_space<vmem>>, vector<16xf32>,
      %swap3A_568 = arith.constant 1 : i32
      %swap3A_569 = arith.constant 3 : i32
      %swap3A_570 = arith.index_cast %swap3A_568 : i32 to index
      %swap3A_571 = arith.index_cast %swap3A_569 : i32 to index
      %swap3A_572 = arith.constant 32 : index
      %swap3A_573 = tpu.vector_load %arg14[%swap3A_570, %swap3A_571, %swap3A_572] {strides = array<i32>} : memref<2x4x128xf32, #tpu.memory_space<vmem>>, vector<16xf32>,
      tpu.vector_store %arg14[%swap3A_570, %swap3A_571, %swap3A_572], %scan3A_554#2 {strides = array<i32>} : memref<2x4x128xf32, #tpu.memory_space<vmem>>, vector<16xf32>,
      %swap3A_574 = arith.constant 1 : i32
      %swap3A_575 = arith.constant 3 : i32
      %swap3A_576 = arith.index_cast %swap3A_574 : i32 to index
      %swap3A_577 = arith.index_cast %swap3A_575 : i32 to index
      %swap3A_578 = arith.constant 48 : index
      %swap3A_579 = tpu.vector_load %arg14[%swap3A_576, %swap3A_577, %swap3A_578] {strides = array<i32>} : memref<2x4x128xf32, #tpu.memory_space<vmem>>, vector<16xf32>,
      tpu.vector_store %arg14[%swap3A_576, %swap3A_577, %swap3A_578], %scan3A_554#3 {strides = array<i32>} : memref<2x4x128xf32, #tpu.memory_space<vmem>>, vector<16xf32>,
      %swap3A_580 = arith.constant 1 : i32
      %swap3A_581 = arith.constant 3 : i32
      %swap3A_582 = arith.index_cast %swap3A_580 : i32 to index
      %swap3A_583 = arith.index_cast %swap3A_581 : i32 to index
      %swap3A_584 = arith.constant 64 : index
      %swap3A_585 = tpu.vector_load %arg14[%swap3A_582, %swap3A_583, %swap3A_584] {strides = array<i32>} : memref<2x4x128xf32, #tpu.memory_space<vmem>>, vector<16xf32>,
      tpu.vector_store %arg14[%swap3A_582, %swap3A_583, %swap3A_584], %scan3A_554#4 {strides = array<i32>} : memref<2x4x128xf32, #tpu.memory_space<vmem>>, vector<16xf32>,
      %swap3A_586 = arith.constant 1 : i32
      %swap3A_587 = arith.constant 3 : i32
      %swap3A_588 = arith.index_cast %swap3A_586 : i32 to index
      %swap3A_589 = arith.index_cast %swap3A_587 : i32 to index
      %swap3A_590 = arith.constant 80 : index
      %swap3A_591 = tpu.vector_load %arg14[%swap3A_588, %swap3A_589, %swap3A_590] {strides = array<i32>} : memref<2x4x128xf32, #tpu.memory_space<vmem>>, vector<16xf32>,
      tpu.vector_store %arg14[%swap3A_588, %swap3A_589, %swap3A_590], %scan3A_554#5 {strides = array<i32>} : memref<2x4x128xf32, #tpu.memory_space<vmem>>, vector<16xf32>,
      %swap3A_592 = arith.constant 1 : i32
      %swap3A_593 = arith.constant 3 : i32
      %swap3A_594 = arith.index_cast %swap3A_592 : i32 to index
      %swap3A_595 = arith.index_cast %swap3A_593 : i32 to index
      %swap3A_596 = arith.constant 96 : index
      %swap3A_597 = tpu.vector_load %arg14[%swap3A_594, %swap3A_595, %swap3A_596] {strides = array<i32>} : memref<2x4x128xf32, #tpu.memory_space<vmem>>, vector<16xf32>,
      tpu.vector_store %arg14[%swap3A_594, %swap3A_595, %swap3A_596], %scan3A_554#6 {strides = array<i32>} : memref<2x4x128xf32, #tpu.memory_space<vmem>>, vector<16xf32>,
      %swap3A_598 = arith.constant 1 : i32
      %swap3A_599 = arith.constant 3 : i32
      %swap3A_600 = arith.index_cast %swap3A_598 : i32 to index
      %swap3A_601 = arith.index_cast %swap3A_599 : i32 to index
      %swap3A_602 = arith.constant 112 : index
      %swap3A_603 = tpu.vector_load %arg14[%swap3A_600, %swap3A_601, %swap3A_602] {strides = array<i32>} : memref<2x4x128xf32, #tpu.memory_space<vmem>>, vector<16xf32>,
      tpu.vector_store %arg14[%swap3A_600, %swap3A_601, %swap3A_602], %scan3A_554#7 {strides = array<i32>} : memref<2x4x128xf32, #tpu.memory_space<vmem>>, vector<16xf32>,
      %mul3A_604 = arith.constant 320 : i32
      %mul3A_605 = arith.muli %add3A, %mul3A_604 : i32
      %mul3A_606 = arith.constant 4 : i32
      %mul3A_607 = arith.muli %add3A_347, %mul3A_606 : i32
      %add3A_608 = arith.addi %mul3A_605, %mul3A_607 : i32
      %dma_start3A_609 = arith.constant 1 : i32
      %dma_start3A_610 = arith.constant 0 : i32
      %dma_start3A_611 = arith.constant 0 : i32
      %dma_start3A_612 = tpu.memref_slice %arg14[%dma_start3A_609, %dma_start3A_610, %dma_start3A_611] : memref<2x4x128xf32, #tpu.memory_space<vmem>> -> memref<1x4x128xf32, #tpu.memory_space<vmem>>
      %dma_start3A_613 = tpu.memref_squeeze %dma_start3A_612 : memref<1x4x128xf32, #tpu.memory_space<vmem>> -> memref<4x128xf32, #tpu.memory_space<vmem>>
      %dma_start3A_614 = arith.constant 0 : i32
      %dma_start3A_615 = tpu.memref_slice %arg7[%add3A_608, %dma_start3A_614] : memref<10240x128xf32, #tpu.memory_space<hbm>> -> memref<4x128xf32, #tpu.memory_space<hbm>>
      %dma_start3A_616 = arith.constant 0 : i32
      %dma_start3A_617 = tpu.memref_slice %arg7[%add3A_608, %dma_start3A_616] : memref<10240x128xf32, #tpu.memory_space<hbm>> -> memref<4x128xf32, #tpu.memory_space<hbm>>
      %dma_start3A_618 = arith.constant 0 : i32
      %dma_start3A_619 = arith.constant 0 : i32
      %dma_start3A_620 = tpu.memref_slice %arg14[%dma_start3A_609, %dma_start3A_618, %dma_start3A_619] : memref<2x4x128xf32, #tpu.memory_space<vmem>> -> memref<1x4x128xf32, #tpu.memory_space<vmem>>
      %dma_start3A_621 = tpu.memref_squeeze %dma_start3A_620 : memref<1x4x128xf32, #tpu.memory_space<vmem>> -> memref<4x128xf32, #tpu.memory_space<vmem>>
      tpu.enqueue_dma source(%dma_start3A_621 : memref<4x128xf32, #tpu.memory_space<vmem>>) target(%dma_start3A_617 : memref<4x128xf32, #tpu.memory_space<hbm>>) target_semaphore(%arg18 : memref<!tpu.dma_semaphore, #tpu.memory_space<semaphore_mem>>)
      %add3A_622 = arith.constant 2 : i32
      %add3A_623 = arith.addi %add3A_347, %add3A_622 : i32
      %lt3A_624 = arith.constant 80 : i32
      %lt3A_625 = arith.cmpi slt, %add3A_623, %lt3A_624 : i32
      %convert_element_type3A_626 = arith.extui %lt3A_625 : i1 to i32
      %cond3A_627 = arith.constant 0 : i32
      %cond3A_628 = arith.cmpi ne, %convert_element_type3A_626, %cond3A_627 : i32
      scf.if %cond3A_628 {
        %add3A_629 = arith.constant 2 : i32
        %add3A_630 = arith.addi %add3A_347, %add3A_629 : i32
        %mul3A_631 = arith.constant 128 : i32
        %mul3A_632 = arith.muli %add3A_630, %mul3A_631 : i32
        %dma_start3A_633 = arith.constant 1 : i32
        %dma_start3A_634 = arith.constant 0 : i32
        %dma_start3A_635 = arith.constant 0 : i32
        %dma_start3A_636 = tpu.memref_slice %arg13[%dma_start3A_633, %dma_start3A_634, %dma_start3A_635] : memref<2x128x128xf32, #tpu.memory_space<vmem>> -> memref<1x128x128xf32, #tpu.memory_space<vmem>>
        %dma_start3A_637 = tpu.memref_squeeze %dma_start3A_636 : memref<1x128x128xf32, #tpu.memory_space<vmem>> -> memref<128x128xf32, #tpu.memory_space<vmem>>
        %dma_start3A_638 = tpu.memref_slice %arg10[%mul3A_632] : memref<10240xi32, #tpu.memory_space<vmem>> -> memref<128xi32, #tpu.memory_space<vmem>>
        %dma_start3A_639 = arith.constant 0 : i32
        %dma_start3A_640 = arith.constant 0 : i32
        %dma_start3A_641 = tpu.memref_slice %arg2[%dma_start3A_639, %dma_start3A_640] : memref<10240x128xf32, #tpu.memory_space<hbm>> -> memref<10240x128xf32, #tpu.memory_space<hbm>>
        tpu.enqueue_indirect_dma source(%dma_start3A_641 : memref<10240x128xf32, #tpu.memory_space<hbm>>) target(%dma_start3A_637 : memref<128x128xf32, #tpu.memory_space<vmem>>) offsets(%dma_start3A_638 : memref<128xi32, #tpu.memory_space<vmem>>) semaphore(%arg16 : memref<!tpu.dma_semaphore, #tpu.memory_space<semaphore_mem>>)
      } else {
      }
    }
    %scan3A_30 = arith.constant 40 : i32
    %mul3A_31 = arith.constant 320 : i32
    %mul3A_32 = arith.muli %add3A, %mul3A_31 : i32
    %add3A_33 = arith.constant 312 : i32
    %add3A_34 = arith.addi %mul3A_32, %add3A_33 : i32
    %dma_wait3A = arith.constant 0 : i32
    %dma_wait3A_35 = arith.constant 0 : i32
    %dma_wait3A_36 = arith.constant 0 : i32
    %dma_wait3A_37 = tpu.memref_slice %arg14[%dma_wait3A, %dma_wait3A_35, %dma_wait3A_36] : memref<2x4x128xf32, #tpu.memory_space<vmem>> -> memref<1x4x128xf32, #tpu.memory_space<vmem>>
    %dma_wait3A_38 = tpu.memref_squeeze %dma_wait3A_37 : memref<1x4x128xf32, #tpu.memory_space<vmem>> -> memref<4x128xf32, #tpu.memory_space<vmem>>
    %dma_wait3A_39 = arith.constant 0 : i32
    %dma_wait3A_40 = tpu.memref_slice %arg7[%add3A_34, %dma_wait3A_39] : memref<10240x128xf32, #tpu.memory_space<hbm>> -> memref<4x128xf32, #tpu.memory_space<hbm>>
    %dma_wait3A_41 = arith.constant 0 : i32
    %dma_wait3A_42 = tpu.memref_slice %arg7[%add3A_34, %dma_wait3A_41] : memref<10240x128xf32, #tpu.memory_space<hbm>> -> memref<4x128xf32, #tpu.memory_space<hbm>>
    %dma_wait3A_43 = arith.constant 0 : i32
    %dma_wait3A_44 = arith.constant 0 : i32
    %dma_wait3A_45 = tpu.memref_slice %arg14[%dma_wait3A, %dma_wait3A_43, %dma_wait3A_44] : memref<2x4x128xf32, #tpu.memory_space<vmem>> -> memref<1x4x128xf32, #tpu.memory_space<vmem>>
    %dma_wait3A_46 = tpu.memref_squeeze %dma_wait3A_45 : memref<1x4x128xf32, #tpu.memory_space<vmem>> -> memref<4x128xf32, #tpu.memory_space<vmem>>
    tpu.wait_dma2 semaphore(%arg17 : memref<!tpu.dma_semaphore, #tpu.memory_space<semaphore_mem>>) src(%dma_wait3A_46 : memref<4x128xf32, #tpu.memory_space<vmem>>) dst(%dma_wait3A_42 : memref<4x128xf32, #tpu.memory_space<hbm>>)
    %mul3A_47 = arith.constant 320 : i32
    %mul3A_48 = arith.muli %add3A, %mul3A_47 : i32
    %add3A_49 = arith.constant 316 : i32
    %add3A_50 = arith.addi %mul3A_48, %add3A_49 : i32
    %dma_wait3A_51 = arith.constant 1 : i32
    %dma_wait3A_52 = arith.constant 0 : i32
    %dma_wait3A_53 = arith.constant 0 : i32
    %dma_wait3A_54 = tpu.memref_slice %arg14[%dma_wait3A_51, %dma_wait3A_52, %dma_wait3A_53] : memref<2x4x128xf32, #tpu.memory_space<vmem>> -> memref<1x4x128xf32, #tpu.memory_space<vmem>>
    %dma_wait3A_55 = tpu.memref_squeeze %dma_wait3A_54 : memref<1x4x128xf32, #tpu.memory_space<vmem>> -> memref<4x128xf32, #tpu.memory_space<vmem>>
    %dma_wait3A_56 = arith.constant 0 : i32
    %dma_wait3A_57 = tpu.memref_slice %arg7[%add3A_50, %dma_wait3A_56] : memref<10240x128xf32, #tpu.memory_space<hbm>> -> memref<4x128xf32, #tpu.memory_space<hbm>>
    %dma_wait3A_58 = arith.constant 0 : i32
    %dma_wait3A_59 = tpu.memref_slice %arg7[%add3A_50, %dma_wait3A_58] : memref<10240x128xf32, #tpu.memory_space<hbm>> -> memref<4x128xf32, #tpu.memory_space<hbm>>
    %dma_wait3A_60 = arith.constant 0 : i32
    %dma_wait3A_61 = arith.constant 0 : i32
    %dma_wait3A_62 = tpu.memref_slice %arg14[%dma_wait3A_51, %dma_wait3A_60, %dma_wait3A_61] : memref<2x4x128xf32, #tpu.memory_space<vmem>> -> memref<1x4x128xf32, #tpu.memory_space<vmem>>
    %dma_wait3A_63 = tpu.memref_squeeze %dma_wait3A_62 : memref<1x4x128xf32, #tpu.memory_space<vmem>> -> memref<4x128xf32, #tpu.memory_space<vmem>>
    tpu.wait_dma2 semaphore(%arg18 : memref<!tpu.dma_semaphore, #tpu.memory_space<semaphore_mem>>) src(%dma_wait3A_63 : memref<4x128xf32, #tpu.memory_space<vmem>>) dst(%dma_wait3A_59 : memref<4x128xf32, #tpu.memory_space<hbm>>)
    return
  }
}

module attributes {stable_mosaic.version = 14 : i64} {
  func.func @_tc_body(%arg0: memref<10240x128xf32, #tpu.memory_space<vmem>>, %arg1: memref<128x128xf32, #tpu.memory_space<vmem>>, %arg2: memref<128x2xf32, #tpu.memory_space<vmem>>, %arg3: memref<10240x128xf32, #tpu.memory_space<vmem>>, %arg4: memref<10240x2xf32, #tpu.memory_space<vmem>>) attributes {dimension_semantics = [], scalar_prefetch = 0 : i64, scratch_operands = 0 : i64, tpu.core_type = #tpu.core_type<tc>} {
    %get3A = arith.constant 0 : index
    %get3A_0 = arith.constant 0 : index
    %get3A_1 = vector.load %arg0[%get3A, %get3A_0] : memref<10240x128xf32, #tpu.memory_space<vmem>>, vector<10240x128xf32>
    %get3A_2 = arith.constant 0 : index
    %get3A_3 = arith.constant 0 : index
    %get3A_4 = vector.load %arg1[%get3A_2, %get3A_3] : memref<128x128xf32, #tpu.memory_space<vmem>>, vector<128x128xf32>
    %dot_general3A = arith.constant dense<0.000000e+00> : vector<10240x128xf32>
    %dot_general3A_5 = tpu.matmul %get3A_1, %get3A_4, %dot_general3A {dimension_numbers = #tpu.dot_dimension_numbers<[1], [0], [0], [1], [0, 0, 1, 1], [], []>, transpose_lhs_hint = false} : vector<10240x128xf32>, vector<128x128xf32>, vector<10240x128xf32> -> vector<10240x128xf32>
    %swap3A = arith.constant 0 : index
    %swap3A_6 = arith.constant 0 : index
    %swap3A_7 = vector.load %arg3[%swap3A, %swap3A_6] : memref<10240x128xf32, #tpu.memory_space<vmem>>, vector<10240x128xf32>
    tpu.vector_store %arg3[%swap3A, %swap3A_6], %dot_general3A_5 {strides = array<i32>} : memref<10240x128xf32, #tpu.memory_space<vmem>>, vector<10240x128xf32>,
    %get3A_8 = arith.constant 0 : index
    %get3A_9 = arith.constant 0 : index
    %get3A_10 = vector.load %arg2[%get3A_8, %get3A_9] : memref<128x2xf32, #tpu.memory_space<vmem>>, vector<128x2xf32>
    %dot_general3A_11 = arith.constant dense<0.000000e+00> : vector<10240x2xf32>
    %dot_general3A_12 = tpu.matmul %dot_general3A_5, %get3A_10, %dot_general3A_11 {dimension_numbers = #tpu.dot_dimension_numbers<[1], [0], [0], [1], [0, 0, 1, 1], [], []>, transpose_lhs_hint = false} : vector<10240x128xf32>, vector<128x2xf32>, vector<10240x2xf32> -> vector<10240x2xf32>
    %swap3A_13 = arith.constant 0 : index
    %swap3A_14 = arith.constant 0 : index
    %swap3A_15 = vector.load %arg4[%swap3A_13, %swap3A_14] : memref<10240x2xf32, #tpu.memory_space<vmem>>, vector<10240x2xf32>
    tpu.vector_store %arg4[%swap3A_13, %swap3A_14], %dot_general3A_12 {strides = array<i32>} : memref<10240x2xf32, #tpu.memory_space<vmem>>, vector<10240x2xf32>,
    return
  }
}

</mosaic_0001>

<sc_bundles>
// kernel: kernel.4.cloned.1.call-start
scs
__scs_entry_jumppad:
0x0: {  	(pc) =	sbr.rel $0x88, $3  }
0x1: {  	(tag) =	ssettag $0x0;
	lr =	simm.s32 $0x1  }
0x2: {  	[smem:$0x3F9D] =	sst lr;
	_ =	strace $0xD0000000  }
0x3: {  	_ = 	snop  }
0x4: {  	_ = 	snop  }
0x5: {  	_ = 	snop  }
0x6: {  	_ = 	snop  }
0x7: {  	_ = 	snop  }
__scs_overlays_trampoline_lowered:
0x8: {  	[smem:$0x3FAC] =	sst s0  }
0x9: {  	[smem:$0x3FAD] =	sst s1  }
0xa: {  	[smem:$0x3FAE] =	sst s2  }
0xb: {  	[smem:$0x3FAF] =	sst s3  }
0xc: {  	[smem:$0x3FB0] =	sst s4  }
0xd: {  	[smem:$0x3FB1] =	sst s5  }
0xe: {  	[smem:$0x3FB2] =	sst s6  }
0xf: {  	[smem:$0x3FB3] =	sst s7  }
0x10: {  	[smem:$0x3FB4] =	sst s8  }
0x11: {  	[smem:$0x3FB5] =	sst s9;
	s0 =	simm.s32 @!p0 $0x0  }
0x12: {  	s1 =	sld [smem:$0x3F9B];
	s0 =	simm.s32 @p0 $0x1  }
0x13: {  	[smem:$0x3FB6] =	sst s0;
	s0 =	simm.s32 @!p1 $0x0  }
0x14: {  	s2 =	sld [smem:$0x3F9A];
	s0 =	simm.s32 @p1 $0x1  }
0x15: {  	[smem:$0x3FB7] =	sst s0;
	s0 =	simm.s32 @!p2 $0x0  }
0x16: {  	s3 =	sld [smem:$0x3FDB];
	s0 =	simm.s32 @p2 $0x1  }
0x17: {  	s4 =	simm.s32 $0x1BF5;
	[smem:$0x3FB9] =	sst s0  }
0x18: {  	s0 =	sld [smem:$0x3F9C];
	_ =	swait.ge [sflag:s4], $0x0  }
0x19: {  	s7 =	sld [smem:$0x3F9D]  }
0x1a: {  	s8 =	sadd.s32 $0xFFFFE003, lr  }
0x1b: {  	s9 =	sadd.s32 $0xFFFFFEF7, lr;
	s5 =	simm.s32 $0xFFFFFFFF;
	p2 =	slt.u32 s8, $0xFFFFF086  }
0x1c: {  	p1 =	slt.u32 s9, $0xF7A;
	s5 =	simm.s32 @!p2 $0x0  }
0x1d: {  	s5 =	simm.s32 @p1 $0x1;
	p0 =	seq.s32 s7, s2  }
0x1e: {  	s7 =	smul.u32 @!p0 $0xF7A, s2;
	p2 =	seq.s32 @!p0 s5, $0x0  }
0x1f: {  	s9 =	smul.u32 $0xF7A, s1;
	s8 =	simm.s32 @!p0 $0x1BF5;
	p2 =	por !p2, p0  }
0x20: {  	[sflag:s8] =	ssyncset.s32 @!p0 $0xFFFFF086;
	s6 =	sadd.s32 @!p0 s3, s7;
	s7 =	simm.s32 @!p0 $0x108  }
0x21: {  	s3 =	sadd.s32 s3, s9;
	s6 =	sadd.s32 @!p0 $0x88, s6;
	s7 =	simm.s32 @p2 $0x1082  }
0x22: {  	[simem:s7], [sflag:s8] =	dma.local @!p0 [hbm:s6], $0xF7A  }
0x23: {  	s9 =	sor.u32 $0xD0000000, s2;
	s6 =	simm.s32 $0x108;
	_ =	swait.ge @!p0 [sflag:s8], $0x0  }
0x24: {  	s3 =	sadd.s32 $0x88, s3;
	s6 =	simm.s32 @!p1 $0x1082;
	[sflag:s4] =	ssyncset.s32 $0xFFFFF086  }
0x25: {  	[simem:s6], [sflag:s4] =	dma.local [hbm:s3], $0xF7A  }
0x26: {  	[smem:$0x3F9D] =	sst s1;
	(tag) =	ssettag s2;
	_ =	strace s9  }
0x27: {  	s1 =	sld [smem:$0x3FAD]  }
0x28: {  	s2 =	sld [smem:$0x3FAE]  }
0x29: {  	s4 =	sld [smem:$0x3FB0]  }
0x2a: {  	p0 =	seq.s32 s5, $0x0;
	s5 =	sld [smem:$0x3FB1]  }
0x2b: {  	s6 =	sld [smem:$0x3FB2]  }
0x2c: {  	s7 =	sld [smem:$0x3FB3]  }
0x2d: {  	s3 =	simm.s32 $0x108;
	s8 =	sld [smem:$0x3FB4]  }
0x2e: {  	s3 =	simm.s32 @!p0 $0x1082;
	s9 =	sld [smem:$0x3FB5]  }
0x2f: {  	lr =	sadd.s32 s0, s3;
	s0 =	sld [smem:$0x3FAC]  }
0x30: {  	s3 =	sld [smem:$0x3FAF]  }
0x31: {  	[smem:$0x3FB8] =	sst s10  }
0x32: {  	s10 =	sld [smem:$0x3FB6];
	_ =	sdelay $0x3  }
0x33: {  	p0 =	seq.s32 s10, $0x1;
	s10 =	sld [smem:$0x3FB8];
	_ =	sdelay $0x3  }
0x34: {  	[smem:$0x3FB8] =	sst s10  }
0x35: {  	s10 =	sld [smem:$0x3FB7];
	_ =	sdelay $0x3  }
0x36: {  	p1 =	seq.s32 s10, $0x1;
	s10 =	sld [smem:$0x3FB8];
	_ =	sdelay $0x3  }
0x37: {  	[smem:$0x3FB8] =	sst s10  }
0x38: {  	s10 =	sld [smem:$0x3FB9]  }
0x39: {  	_ = 	snop;
	(pc) =	sbr.ind lr, $3  }
0x3a: {  	_ = 	snop  }
0x3b: {  	_ = 	snop  }
0x3c: {  	p2 =	seq.s32 s10, $0x1;
	s10 =	sld [smem:$0x3FB8]  }
0x3d: {  	_ =	shalt  }
0x3e: {  	_ =	shalt  }
0x3f: {  	_ =	shalt  }
0x40: {  	_ =	shalt  }
0x41: {  	_ =	shalt  }
0x42: {  	_ =	shalt  }
0x43: {  	_ =	shalt  }
0x44: {  	_ =	shalt  }
0x45: {  	_ =	shalt  }
0x46: {  	_ =	shalt  }
0x47: {  	_ =	shalt  }
0x48: {  	_ =	shalt  }
0x49: {  	_ =	shalt  }
0x4a: {  	_ =	shalt  }
0x4b: {  	_ =	shalt  }
0x4c: {  	_ =	shalt  }
0x4d: {  	_ =	shalt  }
0x4e: {  	_ =	shalt  }
0x4f: {  	_ =	shalt  }
0x50: {  	_ =	shalt  }
0x51: {  	_ =	shalt  }
0x52: {  	_ =	shalt  }
0x53: {  	_ =	shalt  }
0x54: {  	_ =	shalt  }
0x55: {  	_ =	shalt  }
0x56: {  	_ =	shalt  }
0x57: {  	_ =	shalt  }
0x58: {  	_ =	shalt  }
0x59: {  	_ =	shalt  }
0x5a: {  	_ =	shalt  }
0x5b: {  	_ =	shalt  }
0x5c: {  	_ =	shalt  }
0x5d: {  	_ =	shalt  }
0x5e: {  	_ =	shalt  }
0x5f: {  	_ =	shalt  }
0x60: {  	_ =	shalt  }
0x61: {  	_ =	shalt  }
0x62: {  	_ =	shalt  }
0x63: {  	_ =	shalt  }
0x64: {  	_ =	shalt  }
0x65: {  	_ =	shalt  }
0x66: {  	_ =	shalt  }
0x67: {  	_ =	shalt  }
0x68: {  	_ =	shalt  }
0x69: {  	_ =	shalt  }
0x6a: {  	_ =	shalt  }
0x6b: {  	_ =	shalt  }
0x6c: {  	_ =	shalt  }
0x6d: {  	_ =	shalt  }
0x6e: {  	_ =	shalt  }
0x6f: {  	_ =	shalt  }
0x70: {  	_ =	shalt  }
0x71: {  	_ =	shalt  }
0x72: {  	_ =	shalt  }
0x73: {  	_ =	shalt  }
0x74: {  	_ =	shalt  }
0x75: {  	_ =	shalt  }
0x76: {  	_ =	shalt  }
0x77: {  	_ =	shalt  }
0x78: {  	_ =	shalt  }
0x79: {  	_ =	shalt  }
0x7a: {  	_ =	shalt  }
0x7b: {  	_ =	shalt  }
0x7c: {  	_ =	shalt  }
0x7d: {  	_ =	shalt  }
0x7e: {  	_ =	shalt  }
0x7f: {  	_ =	shalt  }
0x80: {  	_ =	shalt  }
0x81: {  	_ =	shalt  }
0x82: {  	_ =	shalt  }
0x83: {  	_ =	shalt  }
0x84: {  	_ =	shalt  }
0x85: {  	_ =	shalt  }
0x86: {  	_ =	shalt  }
0x87: {  	_ =	shalt  }
.Lfunc_end0:
.L_simem_size_0:
called_computation_lowered:
.L_overlay_start_0:
0x88: {  	s2 =	sld [smem:$0x3FD9]  }
0x89: {  	s3 =	sld [smem:$0x3FFE];
	_ =	sdelay $0x1  }
0x8a: {  	s1 =	srdreg.scid  }
0x8b: {  	s0 =	sand.u32 $0x1, s1  }
0x8c: {  	s17 =	sshll.u32 s0, $0xA;
	s2 =	sadd.s32 s3, s2  }
0x8d: {  	s2 =	sadd.s32 s2, s17  }
0x8e: {  	[smem:$0x3FC4] =	sst s2  }
0x8f: {  	_ = 	snop  }
0x90: {  	s2 =	sld [smem:$0x3FD0];
	(tm) =	ssettm $0x1  }
0x91: {  	s18 =	sld [smem:$0x3FFB];
	_ =	sdelay $0x3  }
0x92: {  	_ =	strace s18  }
0x93: {  	s3 =	sld [smem:$0x3FFC];
	_ =	sdelay $0x3  }
0x94: {  	_ =	strace s3  }
0x95: {  	s3 =	sld [smem:$0x3FFD];
	_ =	sdelay $0x3  }
0x96: {  	_ =	strace s3  }
0x97: {  	_ =	strace $0x8FFFFFFF  }
0x98: {  	s19 =	sld [smem:$0x3FDB];
	_ =	sdelay $0x1  }
0x99: {  	s4 =	simm.s32 $_scs_section_size  }
0x9a: {  	s5 =	simm.s32 $_size__tile_overlayer_lowered;
	s6 =	simm.s32 $_tile_overlayer_lowered  }
0x9b: {  	s22 =	simm.s32 $0x1BFF;
	s21 =	sshll.u32 s6, $0x1;
	s3 =	sadd.s32 s4, s19  }
0x9c: {  	s7 =	simm.s32 $0x0;
	s20 =	sshll.u32 s5, $0x1;
	s5 =	sadd.s32 s21, s3  }
0x9d: {  	[timem:s7], [sflag:s22] =	dma.local [hbm:s5], s20  }
0x9e: {  	_ =	swait.ge [sflag:s22], s20  }
0x9f: {  	s4 =	ssub.s32 $0x0, s20;
	[sflag:s22] =	ssyncset.done $0x0  }
0xa0: {  	[sflag:s22] =	ssyncadd.s32 s4;
	_ =	sdelay $0x1  }
0xa1: {  	s23 =	simm.s32 $0x1B8B  }
0xa2: {  	_ =	swait.ge [sflag:s23], $0x1  }
0xa3: {  	[sflag:s23] =	ssyncset.done $0x0  }
0xa4: {  	s25 =	simm.s32 $0x1B8E;
	s24 =	sld [smem:$0x3FFE];
	[sflag:s23] =	ssyncadd.s32 $0xFFFFFFFF  }
0xa5: {  	s26 =	simm.s32 $execute0_lowered;
	[smem:$0x3FD2] =	sst s25  }
0xa6: {  	s5 =	sshll.u32 s26, $0x1;
	_ =	strace $0x80000046;
	[dreg:$0x1] =	wrdreg $0xFFFFFFFF  }
0xa7: {  	s28 =	simm.s32 $_size_execute0_lowered;
	s3 =	sadd.s32 s3, s5;
	[dreg:$0x0] =	wrdreg $0x0  }
0xa8: {  	s5 =	sshll.u32 s28, $0x1;
	[dreg:$0x2] =	wrdreg s3  }
0xa9: {  	[dreg:$0x3] =	wrdreg s5  }
0xaa: {  	[dreg:$0x4] =	wrdreg $0xC0  }
0xab: {  	_ =	task [dreg:s7], $0x5FFFF  }
0xac: {  	[dreg:$0x1] =	wrdreg $0xFFFFFFFF  }
0xad: {  	[dreg:$0x0] =	wrdreg $0x60  }
0xae: {  	[dreg:$0x2] =	wrdreg s24  }
0xaf: {  	[dreg:$0x3] =	wrdreg s2  }
0xb0: {  	[dreg:$0x4] =	wrdreg $0x9  }
0xb1: {  	_ =	task.clear_ibuf [dreg:s7], $0x5FFFF;
	_ =	strace $0x90000046  }
0xb2: {  	s29 =	simm.s32 $0x9;
	_ =	strace $0x80000048  }
0xb3: {  	_ =	swait.ge [sflag:s29], $0x1  }
0xb4: {  	[sflag:s29] =	ssyncadd.s32 $0xFFFFFFFF  }
0xb5: {  	_ =	strace $0x90000048  }
0xb6: {  	_ =	sfence  }
0xb7: {  	s30 =	sld [smem:$0x0];
	_ =	sdelay $0x2  }
0xb8: {  	s31 =	sshll.u32 s1, $0xD;
	s1 =	sshrl.u32 s1, $0x2  }
0xb9: {  	s3 =	sand.u32 $0x4000, s31;
	s1 =	sadd.s32 s1, s30  }
0xba: {  	s0 =	sor.u32 s3, s0;
	s1 =	sshll.u32 s1, $0x11  }
0xbb: {  	s0 =	sor.u32 s1, s0  }
0xbc: {  	s0 =	sadd.s32 $0x8F2B, s0  }
0xbd: {  	[sflag:s0] =	ssyncadd.remote.s32 $0x1  }
0xbe: {  	_ =	sfence.sel $0xFFFF  }
0xbf: {  	[dreg:$0x0] =	wrdreg $0xFFFFFFFF;
	(pc) =	sbr.abs _section_cstart, $3  }
0xc0: {  	[dreg:$0x1] =	wrdreg $0xFFFFFFFF  }
0xc1: {  	_ =	task.clear_ibuf [dreg:s7], $0x2FFFF;
	_ =	strace $0x9FFFFFFF  }
0xc2: {  	(tm) =	ssettm $0x7FFFFFFF  }
0xc3: {  	_ =	shalt  }
tec
execute0_lowered:
.L_overlay_start_1:
0x0: {  	(tag) =	ssettag $0x1  }
0x1: {  	s0 =	rddreg [dreg:$0x0]  }
0x2: {  	s1 =	rddreg [dreg:$0x1];
	s3 =	srdreg.scid  }
0x3: {  	s6 =	stileid.u32;
	s2 =	simm.s32 $0x0;
	s10 =	simm.s32 $0x80  }
0x4: {  	s13 =	simm.s32 $0x5;
	s16 =	simm.s32 $0x10800;
	s17 =	simm.s32 $0x2800  }
0x5: {  	s19 =	simm.s32 $0x1;
	s20 =	simm.s32 $0xA000;
	s21 =	simm.s32 $0x14800  }
0x6: {  	s22 =	simm.s32 $0x2;
	s23 =	simm.s32 $0x14A00;
	s24 =	simm.s32 $0x3  }
0x7: {  	s25 =	simm.s32 $0x4;
	s4 =	sand.u32 $0x1, s3;
	s26 =	sshll.u32 s6, $0x1  }
0x8: {  	[smem:$0x7FF] =	sst s2;
	s28 =	sshrl.u32 s6, $0x2;
	s3 =	sadd.s32 $0x600, s0  }
0x9: {  	s8 =	sadd.s32 $0x28C00, s0;
	s29 =	sadd.s32 $0x28600, s0;
	s5 =	sor.u32 s4, s26  }
0xa: {  	_ =	strace $0x80000047;
	s6 =	smul.u32 $0x14000, s28;
	[dreg:$0x3] =	wrdreg s8  }
0xb: {  	s4 =	ssub.s32 $0x2, s4;
	[dreg:$0x4] =	wrdreg s29;
	s7 =	sshll.u32 s5, $0x7  }
.Ltmp0:
0xc: {  	s30 =	sshrl.u32 s4, $0x1;
	s7 =	sand.u32 $0x380, s7;
	(pc) =	sbr.rel .LBB2_1-.Ltmp0, $4  }
0xd: {  	s5 =	smul.u32 $0x1400, s5;
	s4 =	ssub.s32 s4, s30;
	s6 =	sor.u32 s6, s7  }
0xe: {  	s26 =	simm.s32 $0x0;
	s9 =	smax.u32 s4, $0x1;
	s6 =	sshrl.u32 s6, $0x3  }
0xf: {  	s31 =	sadd.s32 s6, s0;
	s0 =	sadd.s32 s5, s0;
	s1 =	sadd.s32 s1, s6  }
0x10: {  	[dreg:$0x5] =	wrdreg s1;
	s7 =	sadd.s32 $0x29200, s31;
	s8 =	sadd.s32 $0x33200, s0  }
.LBB2_28:
0x11: {  	s26 =	sadd.s32 $0x1, s26  }
0x12: {  	_ =	swait.ge [sflag:s24], $0x200;
	p0 =	sne.s32 s26, s9  }
.Ltmp1:
0x13: {  	[sflag:s24] =	ssyncset.done $0x0;
	(pc) =	sbr.rel @!p0 .LBB2_29-.Ltmp1, $4  }
0x14: {  	[sflag:s24] =	ssyncadd.s32 $0xFFFFFE00  }
0x15: {  	_ =	swait.ge [sflag:s25], $0x200  }
0x16: {  	[sflag:s25] =	ssyncset.done $0x0  }
0x17: {  	[sflag:s25] =	ssyncadd.s32 $0xFFFFFE00  }
.LBB2_1:
0x18: {  	s0 =	rddreg [dreg:$0x5];
	s1 =	simm.s32 $0x400;
	s4 =	simm.s32 $0x5000  }
0x19: {  	[tilespmem:s4], [sflag:$0x5] =	stream.strided.gather [hbm4b:s0+s10], $0x2800, s1, s10, $0x38;
	[tilespmem:$0x14C00] =	vst v63  }
0x1a: {  	_ =	swait.ge [sflag:s13], $0x2800  }
0x1b: {  	[sflag:s13] =	ssyncset.done $0x0  }
0x1c: {  	s11 =	simm.s32 $0xC800;
	[sflag:s13] =	ssyncadd.s32 $0xFFFFD800  }
0x1d: {  	[tilespmem:s11], [sflag:$0x1] =	stream.indirect.gather [hbm4b:s3+s10], $0x80, s4, s10, $0xb8;
	[tilespmem:$0x14C00] =	vst v63  }
0x1e: {  	s12 =	simm.s32 $0x5080  }
0x1f: {  	[tilespmem:s16], [sflag:$0x2] =	stream.indirect.gather [hbm4b:s3+s10], $0x80, s12, s10, $0xb8;
	[tilespmem:$0x14C00] =	vst v63  }
0x20: {  	s14 =	rddreg [dreg:$0x3]  }
0x21: {  	[tilespmem:s2], [sflag:$0x5] =	stream.linear.gather [hbm4b:s14+s2], $0x2800, $0x38;
	[tilespmem:$0x14C00] =	vst v63  }
0x22: {  	_ =	swait.ge [sflag:s13], $0x2800  }
0x23: {  	[sflag:s13] =	ssyncset.done $0x0  }
0x24: {  	s15 =	rddreg [dreg:$0x4];
	[sflag:s13] =	ssyncadd.s32 $0xFFFFD800  }
0x25: {  	[tilespmem:s17], [sflag:$0x5] =	stream.linear.gather [hbm4b:s15+s2], $0x2800, $0x38;
	[tilespmem:$0x14C00] =	vst v63  }
0x26: {  	_ =	swait.ge [sflag:s13], $0x2800  }
0x27: {  	[sflag:s13] =	ssyncset.done $0x0  }
0x28: {  	s18 =	simm.s32 $0x7800;
	[sflag:s13] =	ssyncadd.s32 $0xFFFFD800  }
0x29: {  	[tilespmem:s18], [sflag:$0x5] =	stream.strided.gather [hbm4b:s7+s10], $0x2800, s1, s10, $0x38;
	[tilespmem:$0x14C00] =	vst v63  }
0x2a: {  	_ =	swait.ge [sflag:s13], $0x2800  }
0x2b: {  	[sflag:s13] =	ssyncset.done $0x0  }
0x2c: {  	s0 =	simm.s32 $0x0;
	[sflag:s13] =	ssyncadd.s32 $0xFFFFD800  }
0x2d: {  	v0 =	vld [tilespmem:s0+$0x5000]  }
0x2e: {  	v1 =	vld [tilespmem:s0+$0x7810]  }
0x2f: {  	v2 =	vld [tilespmem:s0+$0x5010]  }
0x30: {  	v3 =	vld [tilespmem:s0+$0x7800];
	_ =	sdelay $0x4  }
0x31: {  	v0 =	vld.idx.msk [tilespmem:v0+s17+$0x0], $0xffff  }
0x32: {  	v1 =	vld.idx.msk [tilespmem:v1+s2+$0x0], $0xffff  }
0x33: {  	v2 =	vld.idx.msk [tilespmem:v2+s17+$0x0], $0xffff  }
0x34: {  	v3 =	vld.idx.msk [tilespmem:v3+s2+$0x0], $0xffff;
	_ =	sdelay $0x3  }
0x35: {  	v1 =	vadd.f32 v2, v1  }
0x36: {  	v0 =	vadd.f32 v0, v3  }
0x37: {  	v2 =	vmul.f32 $2.000000030e-01, v1  }
0x38: {  	v3 =	vmul.f32 $2.000000030e-01, v0;
	vm0 =	vge.f32 v1, $0.0e+00  }
0x39: {  	vm1 =	vge.f32 v0, $0.0e+00;
	v1 =	vsel vm0, v1, v2  }
0x3a: {  	v0 =	vsel vm1, v0, v3;
	(xrf0) =	vmax.scan.msk.f32 $0xffff, v1  }
0x3b: {  	(xrf0) =	vmax.scan.msk.f32 $0xffff, v0;
	_ =	sdelay $0x4  }
0x3c: {  	v2, _, _ =	vpop (xrf0)  }
0x3d: {  	v3, _, _ =	vpop (xrf0);
	(v2sf) =	vpush v2, $0xF  }
0x3e: {  	(v2sf) =	vpush v3, $0xF;
	_ =	sdelay $0xd  }
0x3f: {  	s28 =	spop (v2sf)  }
0x40: {  	s29 =	spop (v2sf)  }
0x41: {  	s1 =	smax.f32 s29, s28  }
0x42: {  	v2 =	vmov s1  }
0x43: {  	v0 =	vsub.f32 v0, v2  }
0x44: {  	v1 =	vsub.f32 v1, v2  }
0x45: {  	v0 =	vmul.f32 $1.442695020e+00, v0  }
0x46: {  	v1 =	vmul.f32 $1.442695020e+00, v1  }
0x47: {  	(erf) = vpow2.f32 v0  }
0x48: {  	(erf) = vpow2.f32 v1;
	_ =	sdelay $0x7  }
0x49: {  	v4 =	vpop (erf)  }
0x4a: {  	(xrf2) =	vadd.scan.msk.f32 $0xffff, v4;
	v5 =	vpop (erf)  }
0x4b: {  	(xrf2) =	vadd.scan.msk.f32 $0xffff, v5;
	_ =	sdelay $0x8  }
0x4c: {  	v0, _, _ =	vpop (xrf2)  }
0x4d: {  	(v2sf) =	vpush v0, $0xF;
	v0, _, _ =	vpop (xrf2)  }
0x4e: {  	(v2sf) =	vpush v0, $0xF;
	_ =	sdelay $0xd  }
0x4f: {  	s30 =	spop (v2sf)  }
0x50: {  	s31 =	spop (v2sf)  }
0x51: {  	s1 =	sadd.f32 s31, s30;
	_ =	sdelay $0x1  }
0x52: {  	v0 =	vmov s1  }
0x53: {  	(erf) = vrcp.f32 v0;
	_ =	sdelay $0x4  }
0x54: {  	s4 =	simm.s32 $0x20  }
0x55: {  	v0 =	vld [tilespmem:s4+$0x5000]  }
0x56: {  	v1 =	vld [tilespmem:s4+$0x7810]  }
0x57: {  	v2 =	vld [tilespmem:s4+$0x5010]  }
0x58: {  	v3 =	vld [tilespmem:s4+$0x7800];
	v6 =	vpop (erf)  }
0x59: {  	v5 =	vmul.f32 v6, v5  }
0x5a: {  	s1 =	simm.s32 $0x100;
	v4 =	vmul.f32 v6, v4  }
.LBB2_2:
0x5b: {  	p0 =	sne.s32 s1, $0x9F80;
	[tilespmem:s0+$0xA010] =	vst v5  }
0x5c: {  	[tilespmem:s0+$0xA000] =	vst v4;
	s0 =	smov.u32 s4  }
0x5d: {  	s28 =	simm.s32 $0x0;
	v0 =	vld.idx.msk [tilespmem:v0+s17+$0x0], $0xffff  }
0x5e: {  	v1 =	vld.idx.msk [tilespmem:v1+s28+$0x0], $0xffff  }
0x5f: {  	v2 =	vld.idx.msk [tilespmem:v2+s17+$0x0], $0xffff  }
0x60: {  	v3 =	vld.idx.msk [tilespmem:v3+s28+$0x0], $0xffff;
	_ =	sdelay $0x4  }
0x61: {  	v1 =	vadd.f32 v2, v1  }
0x62: {  	v0 =	vadd.f32 v0, v3  }
0x63: {  	v2 =	vmul.f32 $2.000000030e-01, v1  }
0x64: {  	vm0 =	vge.f32 v1, $0.0e+00;
	v3 =	vmul.f32 $2.000000030e-01, v0  }
0x65: {  	vm1 =	vge.f32 v0, $0.0e+00;
	v1 =	vsel vm0, v1, v2  }
0x66: {  	v0 =	vsel vm1, v0, v3;
	(xrf0) =	vmax.scan.msk.f32 $0xffff, v1  }
0x67: {  	(xrf0) =	vmax.scan.msk.f32 $0xffff, v0;
	_ =	sdelay $0x4  }
0x68: {  	v2, _, _ =	vpop (xrf0)  }
0x69: {  	v3, _, _ =	vpop (xrf0);
	(v2sf) =	vpush v2, $0xF  }
0x6a: {  	(v2sf) =	vpush v3, $0xF;
	_ =	sdelay $0xd  }
0x6b: {  	s4 =	spop (v2sf)  }
0x6c: {  	s5 =	spop (v2sf)  }
0x6d: {  	s4 =	smax.f32 s5, s4  }
0x6e: {  	v2 =	vmov s4  }
0x6f: {  	v0 =	vsub.f32 v0, v2;
	_ =	sdelay $0x1  }
0x70: {  	v0 =	vmul.f32 $1.442695020e+00, v0  }
0x71: {  	v1 =	vsub.f32 v1, v2  }
0x72: {  	(erf) = vpow2.f32 v0  }
0x73: {  	v0 =	vmul.f32 $1.442695020e+00, v1;
	_ =	sdelay $0x1  }
0x74: {  	(erf) = vpow2.f32 v0;
	_ =	sdelay $0x5  }
0x75: {  	v4 =	vpop (erf)  }
0x76: {  	(xrf2) =	vadd.scan.msk.f32 $0xffff, v4;
	_ =	sdelay $0x1  }
0x77: {  	v5 =	vpop (erf)  }
0x78: {  	(xrf2) =	vadd.scan.msk.f32 $0xffff, v5;
	_ =	sdelay $0x6  }
0x79: {  	v0, _, _ =	vpop (xrf2);
	_ =	sdelay $0x2  }
0x7a: {  	(v2sf) =	vpush v0, $0xF;
	v0, _, _ =	vpop (xrf2)  }
0x7b: {  	(v2sf) =	vpush v0, $0xF;
	_ =	sdelay $0xd  }
0x7c: {  	s4 =	spop (v2sf)  }
0x7d: {  	s5 =	spop (v2sf)  }
0x7e: {  	s4 =	sadd.f32 s5, s4;
	_ =	sdelay $0x1  }
0x7f: {  	v0 =	vmov s4  }
0x80: {  	(erf) = vrcp.f32 v0;
	_ =	sdelay $0x4  }
0x81: {  	s4 =	sshra.s32 s1, $0x2  }
0x82: {  	v0 =	vld [tilespmem:s4+$0x5000]  }
.Ltmp2:
0x83: {  	v1 =	vld [tilespmem:s4+$0x7810];
	(pc) =	sbr.rel @p0 .LBB2_2-.Ltmp2, $4  }
0x84: {  	v2 =	vld [tilespmem:s4+$0x5010]  }
0x85: {  	v3 =	vld [tilespmem:s4+$0x7800];
	v6 =	vpop (erf)  }
0x86: {  	v4 =	vmul.f32 v6, v4;
	v5 =	vmul.f32 v6, v5  }
0x87: {  	s1 =	sadd.s32 $0x80, s1  }
0x88: {  	_ =	sdelay $0x1  }
0x89: {  	[tilespmem:s0+$0xA010] =	vst v5  }
0x8a: {  	[tilespmem:s0+$0xA000] =	vst v4  }
0x8b: {  	v0 =	vld.idx.msk [tilespmem:v0+s17+$0x0], $0xffff  }
0x8c: {  	v1 =	vld.idx.msk [tilespmem:v1+s28+$0x0], $0xffff  }
0x8d: {  	v2 =	vld.idx.msk [tilespmem:v2+s17+$0x0], $0xffff  }
0x8e: {  	v3 =	vld.idx.msk [tilespmem:v3+s28+$0x0], $0xffff;
	_ =	sdelay $0x3  }
0x8f: {  	v1 =	vadd.f32 v2, v1  }
0x90: {  	v0 =	vadd.f32 v0, v3  }
0x91: {  	v2 =	vmul.f32 $2.000000030e-01, v1  }
0x92: {  	vm0 =	vge.f32 v1, $0.0e+00;
	v3 =	vmul.f32 $2.000000030e-01, v0  }
0x93: {  	vm1 =	vge.f32 v0, $0.0e+00;
	v1 =	vsel vm0, v1, v2  }
0x94: {  	v0 =	vsel vm1, v0, v3;
	(xrf0) =	vmax.scan.msk.f32 $0xffff, v1  }
0x95: {  	(xrf0) =	vmax.scan.msk.f32 $0xffff, v0;
	_ =	sdelay $0x4  }
0x96: {  	v58, _, _ =	vpop (xrf0)  }
0x97: {  	v59, _, _ =	vpop (xrf0);
	(v2sf) =	vpush v58, $0xF  }
0x98: {  	(v2sf) =	vpush v59, $0xF;
	_ =	sdelay $0xd  }
0x99: {  	s14 =	spop (v2sf)  }
0x9a: {  	s1 =	spop (v2sf)  }
0x9b: {  	s0 =	smax.f32 s1, s14  }
0x9c: {  	v60 =	vmov s0  }
0x9d: {  	v0 =	vsub.f32 v0, v60  }
0x9e: {  	v1 =	vsub.f32 v1, v60  }
0x9f: {  	v0 =	vmul.f32 $1.442695020e+00, v0  }
0xa0: {  	v1 =	vmul.f32 $1.442695020e+00, v1  }
0xa1: {  	(erf) = vpow2.f32 v0  }
0xa2: {  	(erf) = vpow2.f32 v1;
	_ =	sdelay $0x7  }
0xa3: {  	v0 =	vpop (erf)  }
0xa4: {  	(xrf2) =	vadd.scan.msk.f32 $0xffff, v0;
	v1 =	vpop (erf)  }
0xa5: {  	(xrf2) =	vadd.scan.msk.f32 $0xffff, v1;
	_ =	sdelay $0x8  }
0xa6: {  	v61, _, _ =	vpop (xrf2)  }
0xa7: {  	(v2sf) =	vpush v61, $0xF;
	v62, _, _ =	vpop (xrf2)  }
0xa8: {  	(v2sf) =	vpush v62, $0xF;
	_ =	sdelay $0xd  }
0xa9: {  	s15 =	spop (v2sf)  }
0xaa: {  	s18 =	spop (v2sf)  }
0xab: {  	s0 =	sadd.f32 s18, s15;
	_ =	sdelay $0x1  }
0xac: {  	v63 =	vmov s0  }
0xad: {  	(erf) = vrcp.f32 v63;
	_ =	sdelay $0x8  }
0xae: {  	v2 =	vpop (erf)  }
0xaf: {  	v1 =	vmul.f32 v2, v1  }
0xb0: {  	s29 =	simm.s32 $0x20;
	s30 =	simm.s32 $0x40;
	v0 =	vmul.f32 v2, v0  }
0xb1: {  	s31 =	simm.s32 $0x60;
	s1 =	simm.s32 $0xA0;
	s14 =	simm.s32 $0xC0;
	[tilespmem:s4+$0xA010] =	vst v1  }
0xb2: {  	s15 =	simm.s32 $0xE0;
	s18 =	simm.s32 $0x0;
	s0 =	simm.s32 $0x80;
	[tilespmem:s4+$0xA000] =	vst v0  }
.LBB2_4:
0xb3: {  	_ =	swait.ge [sflag:s19], $0x4000;
	p3 =	por $0x1, $0x1  }
.Ltmp3:
0xb4: {  	p0 =	seq.s32 s18, $0x0;
	[sflag:s19] =	ssyncset.done $0x0;
	(pc) =	sbr.rel @!p3 .LBB2_5-.Ltmp3, $4  }
0xb5: {  	s4 =	simm.s32 @!p0 $0x3;
	[sflag:s19] =	ssyncadd.s32 $0xFFFFC000  }
0xb6: {  	s11 =	sshll.u32 s18, $0x1;
	_ =	swait.ge @!p0 [sflag:s4], $0x200  }
0xb7: {  	s12 =	simm.s32 $0xC840;
	s5 =	sadd.s32 $0x0, s28;
	[sflag:s4] =	ssyncset.done @!p0 $0x0  }
0xb8: {  	v0 =	vimm.f32 $0.0e+00;
	p1 =	por $0x0, $0x0;
	p2 =	por $0x0, $0x0;
	[sflag:s4] =	ssyncadd.s32 @!p0 $0xFFFFFE00  }
0xb9: {  	v1 =	vmov s5;
	_ =	sdelay $0x3  }
0xba: {  	p3 =	por $0x1, $0x1  }
.Ltmp4:
0xbb: {  	v3 =	vld.idx.msk [tilespmem:v1+s20+$0x0], $0xffff;
	(pc) =	sbr.rel @!p3 .LBB2_7-.Ltmp4, $4  }
0xbc: {  	_ = 	snop  }
0xbd: {  	v6 =	vld [tilespmem:s12+$0x30]  }
0xbe: {  	v7 =	vld [tilespmem:s12+$0xFFFFFFC0]  }
0xbf: {  	s5 =	sadd.s32 $0x1, s28;
	v12 =	vld [tilespmem:s12+$0xFFFFFFD0];
	p1 =	por $0x1, $0x1  }
0xc0: {  	v1 =	vld [tilespmem:s12+$0xFFFFFFE0]  }
0xc1: {  	v4 =	vld [tilespmem:s12+$0xFFFFFFF0]  }
0xc2: {  	v2 =	vmov s5;
	v8 =	vld [tilespmem:s12+$0x0]  }
0xc3: {  	v9 =	vld [tilespmem:s12+$0x10];
	_ =	sdelay $0x1  }
0xc4: {  	p3 =	por $0x1, $0x1;
	v5 =	vmul.f32 v6, v3  }
.Ltmp5:
0xc5: {  	v13 =	vld [tilespmem:s12+$0x20];
	v6 =	vmul.f32 v7, v3;
	v7 =	vmul.f32 v12, v3;
	(pc) =	sbr.rel @!p3 .LBB2_9-.Ltmp5, $4  }
0xc6: {  	s4 =	simm.s32 $0xC8C0;
	v10 =	vmul.f32 v1, v3;
	v1 =	vadd.f32 v5, v0;
	v15 =	vld.idx.msk [tilespmem:v2+s20+$0x0], $0xffff;
	v11 =	vmul.f32 v4, v3  }
0xc7: {  	v2 =	vadd.f32 v6, v0;
	v6 =	vld [tilespmem:s4+$0x30];
	v14 =	vmul.f32 v8, v3;
	v16 =	vmul.f32 v9, v3  }
0xc8: {  	v9 =	vimm.f32 $0.0e+00;
	v4 =	vadd.f32 v7, v0;
	v7 =	vld [tilespmem:s4+$0xFFFFFFC0];
	v5 =	vadd.f32 v10, v0  }
0xc9: {  	s5 =	sadd.s32 $0x2, s28;
	s6 =	simm.s32 $0x3;
	p2 =	por $0x1, $0x1;
	v12 =	vld [tilespmem:s4+$0xFFFFFFD0];
	v8 =	vadd.f32 v11, v0;
	v10 =	vimm.f32 $0.0e+00;
	v11 =	vimm.f32 $0.0e+00  }
.LBB2_10:
0xca: {  	p3 =	sne.s32 s6, $0x1F;
	v17 =	vmov s5;
	v18 =	vld [tilespmem:s4+$0xFFFFFFE0];
	v9 =	vadd.f32 v14, v9;
	v13 =	vmul.f32 v13, v3  }
0xcb: {  	v14 =	vld [tilespmem:s4+$0xFFFFFFF0];
	v10 =	vadd.f32 v16, v10  }
0xcc: {  	v3 =	vmov v15;
	v16 =	vld [tilespmem:s4+$0x0];
	v6 =	vmul.f32 v6, v15;
	v11 =	vadd.f32 v13, v11  }
0xcd: {  	v7 =	vmul.f32 v7, v3;
	v19 =	vld [tilespmem:s4+$0x10]  }
.Ltmp6:
0xce: {  	v12 =	vmul.f32 v12, v3;
	v13 =	vld [tilespmem:s4+$0x20];
	v1 =	vadd.f32 v6, v1;
	(pc) =	sbr.rel @p3 .LBB2_10-.Ltmp6, $4  }
0xcf: {  	s4 =	sadd.s32 $0x80, s4;
	v15 =	vld.idx.msk [tilespmem:v17+s20+$0x0], $0xffff;
	v2 =	vadd.f32 v7, v2;
	v17 =	vmul.f32 v18, v3  }
0xd0: {  	v6 =	vld [tilespmem:s4+$0x30];
	v4 =	vadd.f32 v12, v4;
	v18 =	vmul.f32 v14, v3  }
0xd1: {  	v7 =	vld [tilespmem:s4+$0xFFFFFFC0];
	v5 =	vadd.f32 v17, v5;
	v14 =	vmul.f32 v16, v3  }
0xd2: {  	s5 =	sadd.s32 s6, s28;
	s6 =	sadd.s32 $0x1, s6;
	v12 =	vld [tilespmem:s4+$0xFFFFFFD0];
	v8 =	vadd.f32 v18, v8;
	v16 =	vmul.f32 v19, v3  }
0xd3: {  	_ = 	snop  }
0xd4: {  	v17 =	vmov v3;
	v3 =	vmov v15  }
.LBB2_12:
0xd5: {  	v18 =	vld @p1 [tilespmem:s4+$0xFFFFFFE0]  }
0xd6: {  	v19 =	vld @p1 [tilespmem:s4+$0xFFFFFFF0]  }
0xd7: {  	v15 =	vmov s5;
	v20 =	vld @p1 [tilespmem:s4+$0x0]  }
0xd8: {  	v13 =	vmul.f32 @p2 v13, v17;
	v17 =	vld @p1 [tilespmem:s4+$0x10]  }
0xd9: {  	v9 =	vadd.f32 @p2 v14, v9;
	v6 =	vmul.f32 @p1 v6, v3;
	v14 =	vld @p1 [tilespmem:s4+$0x20];
	s4 =	sadd.s32 @p1 $0x80, s4;
	v7 =	vmul.f32 @p1 v7, v3  }
0xda: {  	v10 =	vadd.f32 @p2 v16, v10;
	s12 =	smov.u32 @p1 s4;
	v11 =	vadd.f32 @p2 v13, v11  }
0xdb: {  	v12 =	vmul.f32 @p1 v12, v3;
	v1 =	vadd.f32 @p1 v6, v1;
	v2 =	vadd.f32 @p1 v7, v2;
	v7 =	vld [tilespmem:s12+$0xFFFFFFC0]  }
0xdc: {  	v9 =	vpsel p2, v9, v0;
	v10 =	vpsel p2, v10, v0;
	v13 =	vld.idx.msk [tilespmem:v15+s20+$0x0], $0xffff;
	v6 =	vmul.f32 @p1 v18, v3  }
0xdd: {  	v4 =	vadd.f32 @p1 v12, v4;
	v11 =	vpsel p2, v11, v0;
	v15 =	vld [tilespmem:s12+$0x30];
	v16 =	vmul.f32 @p1 v19, v3  }
0xde: {  	v1 =	vpsel p1, v1, v0;
	v12 =	vmul.f32 @p1 v20, v3;
	v5 =	vadd.f32 @p1 v6, v5;
	v6 =	vld [tilespmem:s12+$0xFFFFFFD0]  }
0xdf: {  	v14 =	vpsel p1, v14, v0;
	v8 =	vadd.f32 @p1 v16, v8;
	v16 =	vmul.f32 @p1 v17, v3;
	v17 =	vld [tilespmem:s12+$0xFFFFFFE0]  }
0xe0: {  	v63 =	vld [tilespmem:s12+$0xFFFFFFF0];
	v2 =	vpsel p1, v2, v0;
	v4 =	vpsel p1, v4, v0;
	v12 =	vpsel p1, v12, v0  }
0xe1: {  	v3 =	vpsel p1, v3, v0;
	v9 =	vadd.f32 @p1 v12, v9;
	v12 =	vld [tilespmem:s12+$0x0];
	v7 =	vmul.f32 v7, v13  }
0xe2: {  	v3 =	vmul.f32 @p1 v14, v3;
	v14 =	vld [tilespmem:s12+$0x10];
	v16 =	vpsel p1, v16, v0;
	v15 =	vmul.f32 v15, v13  }
0xe3: {  	v10 =	vadd.f32 @p1 v16, v10;
	v16 =	vld [tilespmem:s12+$0x20];
	v6 =	vmul.f32 v6, v13;
	v2 =	vadd.f32 v7, v2  }
0xe4: {  	v5 =	vpsel p1, v5, v0;
	v7 =	vmul.f32 v17, v13;
	v1 =	vadd.f32 v15, v1  }
0xe5: {  	v8 =	vpsel p1, v8, v0;
	v4 =	vadd.f32 v6, v4;
	v6 =	vmul.f32 v63, v13;
	[tilespmem:$0x14800] =	vst v2  }
0xe6: {  	v3 =	vadd.f32 @p1 v3, v11;
	v5 =	vadd.f32 v7, v5;
	v7 =	vmul.f32 v12, v13;
	[tilespmem:$0x14870] =	vst v1  }
0xe7: {  	v2 =	vadd.f32 v6, v8;
	v6 =	vmul.f32 v14, v13;
	v8 =	vpsel p1, v9, v0;
	[tilespmem:$0x14810] =	vst v4  }
0xe8: {  	v4 =	vpsel p1, v10, v0;
	[tilespmem:$0x14820] =	vst v5;
	v7 =	vadd.f32 v7, v8;
	v8 =	vmul.f32 v16, v13  }
0xe9: {  	v3 =	vpsel p1, v3, v0;
	v4 =	vadd.f32 v6, v4;
	[tilespmem:$0x14830] =	vst v2  }
0xea: {  	v3 =	vadd.f32 v8, v3;
	[tilespmem:$0x14840] =	vst v7  }
0xeb: {  	s5 =	sadd.s32 $0x0, s29;
	[tilespmem:$0x14850] =	vst v4  }
0xec: {  	s6 =	simm.s32 $0xD870;
	v2 =	vmov s5;
	[tilespmem:$0x14860] =	vst v3  }
0xed: {  	v1 =	vld [tilespmem:s6+$0x0]  }
0xee: {  	v3 =	vld [tilespmem:s6+$0xFFFFFFA0]  }
0xef: {  	v4 =	vld [tilespmem:s6+$0xFFFFFFB0]  }
0xf0: {  	v7 =	vld [tilespmem:s6+$0xFFFFFFC0]  }
0xf1: {  	v6 =	vld.idx.msk [tilespmem:v2+s20+$0x0], $0xffff  }
0xf2: {  	v2 =	vld [tilespmem:s6+$0xFFFFFF90]  }
0xf3: {  	s12 =	sadd.s32 $0x1, s29;
	v8 =	vld [tilespmem:s6+$0xFFFFFFD0]  }
0xf4: {  	v5 =	vmov s12;
	v9 =	vld [tilespmem:s6+$0xFFFFFFE0];
	_ =	sdelay $0x1  }
0xf5: {  	v1 =	vmul.f32 v1, v6  }
0xf6: {  	s4 =	simm.s32 $0xD8F0;
	v10 =	vld [tilespmem:s6+$0xFFFFFFF0];
	v2 =	vmul.f32 v2, v6;
	v11 =	vmul.f32 v3, v6  }
0xf7: {  	v12 =	vld [tilespmem:s4+$0x0];
	v4 =	vmul.f32 v4, v6;
	v13 =	vmul.f32 v7, v6  }
0xf8: {  	v14 =	vmul.f32 v8, v6;
	v15 =	vmul.f32 v9, v6;
	v3 =	vadd.f32 v1, v0;
	v1 =	vld.idx.msk [tilespmem:v5+s20+$0x0], $0xffff  }
0xf9: {  	v9 =	vimm.f32 $0.0e+00;
	v7 =	vadd.f32 v2, v0;
	v5 =	vadd.f32 v11, v0;
	v11 =	vld [tilespmem:s4+$0xFFFFFF90]  }
0xfa: {  	s5 =	simm.s32 $0x3;
	s6 =	sadd.s32 $0x2, s29;
	v8 =	vimm.f32 $0.0e+00;
	v2 =	vadd.f32 v4, v0;
	v4 =	vadd.f32 v13, v0;
	v13 =	vld [tilespmem:s4+$0xFFFFFFA0]  }
.LBB2_13:
0xfb: {  	p1 =	sne.s32 s5, $0x1F;
	v16 =	vmov s6;
	v17 =	vld [tilespmem:s4+$0xFFFFFFB0];
	v0 =	vadd.f32 v14, v0;
	v10 =	vmul.f32 v10, v6  }
0xfc: {  	v14 =	vld [tilespmem:s4+$0xFFFFFFC0];
	v9 =	vadd.f32 v15, v9  }
0xfd: {  	v6 =	vmov v1;
	v15 =	vld [tilespmem:s4+$0xFFFFFFD0];
	v12 =	vmul.f32 v12, v1;
	v8 =	vadd.f32 v10, v8  }
0xfe: {  	v11 =	vmul.f32 v11, v6;
	v18 =	vld [tilespmem:s4+$0xFFFFFFE0]  }
.Ltmp7:
0xff: {  	v13 =	vmul.f32 v13, v6;
	v10 =	vld [tilespmem:s4+$0xFFFFFFF0];
	v3 =	vadd.f32 v12, v3;
	(pc) =	sbr.rel @p1 .LBB2_13-.Ltmp7, $4  }
0x100: {  	s4 =	sadd.s32 $0x80, s4;
	v1 =	vld.idx.msk [tilespmem:v16+s20+$0x0], $0xffff;
	v7 =	vadd.f32 v11, v7;
	v16 =	vmul.f32 v17, v6  }
0x101: {  	v12 =	vld [tilespmem:s4+$0x0];
	v5 =	vadd.f32 v13, v5;
	v17 =	vmul.f32 v14, v6  }
0x102: {  	v11 =	vld [tilespmem:s4+$0xFFFFFF90];
	v2 =	vadd.f32 v16, v2;
	v14 =	vmul.f32 v15, v6  }
0x103: {  	s6 =	sadd.s32 s5, s29;
	s5 =	sadd.s32 $0x1, s5;
	v13 =	vld [tilespmem:s4+$0xFFFFFFA0];
	v4 =	vadd.f32 v17, v4;
	v15 =	vmul.f32 v18, v6  }
0x104: {  	v17 =	vld [tilespmem:s4+$0xFFFFFFB0]  }
0x105: {  	v16 =	vmov s6;
	v18 =	vld [tilespmem:s4+$0xFFFFFFC0]  }
0x106: {  	v19 =	vld [tilespmem:s4+$0xFFFFFFD0]  }
0x107: {  	v20 =	vld [tilespmem:s4+$0xFFFFFFE0]  }
0x108: {  	v21 =	vld [tilespmem:s4+$0xFFFFFFF0];
	s5 =	sadd.s32 $0x80, s4  }
0x109: {  	v22 =	vld [tilespmem:s5+$0xFFFFFF90]  }
0x10a: {  	v6 =	vmul.f32 v10, v6;
	v16 =	vld.idx.msk [tilespmem:v16+s20+$0x0], $0xffff  }
0x10b: {  	v0 =	vadd.f32 v14, v0;
	v10 =	vmul.f32 v12, v1;
	v12 =	vld [tilespmem:s5+$0xFFFFFFA0];
	v11 =	vmul.f32 v11, v1  }
0x10c: {  	v9 =	vadd.f32 v15, v9;
	v14 =	vld [tilespmem:s5+$0xFFFFFFB0];
	v6 =	vadd.f32 v6, v8;
	v8 =	vmul.f32 v13, v1  }
0x10d: {  	v3 =	vadd.f32 v10, v3;
	v10 =	vld [tilespmem:s5+$0xFFFFFFC0];
	v7 =	vadd.f32 v11, v7  }
0x10e: {  	v15 =	vld [tilespmem:s5+$0xFFFFFFD0];
	v11 =	vmul.f32 v17, v1;
	v5 =	vadd.f32 v8, v5;
	v8 =	vmul.f32 v19, v1  }
0x10f: {  	v63 =	vld [tilespmem:s5+$0xFFFFFFE0];
	v13 =	vmul.f32 v18, v1;
	v17 =	vmul.f32 v22, v16  }
0x110: {  	v2 =	vadd.f32 v11, v2;
	v0 =	vadd.f32 v8, v0;
	v8 =	vld [tilespmem:s5+$0x0];
	v11 =	vmul.f32 v12, v16  }
0x111: {  	v4 =	vadd.f32 v13, v4;
	v12 =	vld [tilespmem:s5+$0xFFFFFFF0];
	v13 =	vmul.f32 v14, v16;
	v7 =	vadd.f32 v17, v7  }
0x112: {  	v10 =	vmul.f32 v10, v16;
	v5 =	vadd.f32 v11, v5;
	v11 =	vmul.f32 v20, v1  }
0x113: {  	v1 =	vmul.f32 v21, v1;
	v2 =	vadd.f32 v13, v2;
	v13 =	vmul.f32 v15, v16;
	[tilespmem:$0x14880] =	vst v7  }
0x114: {  	v4 =	vadd.f32 v10, v4;
	v7 =	vadd.f32 v11, v9;
	v9 =	vmul.f32 v63, v16;
	[tilespmem:$0x14890] =	vst v5  }
0x115: {  	s6 =	sadd.s32 $0x0, s30;
	v1 =	vadd.f32 v1, v6;
	v0 =	vadd.f32 v13, v0;
	[tilespmem:$0x148A0] =	vst v2;
	v2 =	vmul.f32 v8, v16  }
0x116: {  	[tilespmem:$0x148B0] =	vst v4;
	v4 =	vmov s6;
	v5 =	vmul.f32 v12, v16;
	v6 =	vadd.f32 v9, v7  }
0x117: {  	[tilespmem:$0x148C0] =	vst v0;
	v0 =	vadd.f32 v2, v3  }
0x118: {  	v1 =	vadd.f32 v5, v1;
	[tilespmem:$0x148D0] =	vst v6  }
0x119: {  	[tilespmem:$0x148F0] =	vst v0  }
0x11a: {  	[tilespmem:$0x148E0] =	vst v1  }
0x11b: {  	s12 =	simm.s32 $0xE870;
	v5 =	vld.idx.msk [tilespmem:v4+s20+$0x0], $0xffff  }
0x11c: {  	v0 =	vld [tilespmem:s12+$0x0]  }
0x11d: {  	v1 =	vld [tilespmem:s12+$0xFFFFFF90]  }
0x11e: {  	v2 =	vld [tilespmem:s12+$0xFFFFFFA0]  }
0x11f: {  	v3 =	vld [tilespmem:s12+$0xFFFFFFB0]  }
0x120: {  	v7 =	vld [tilespmem:s12+$0xFFFFFFC0]  }
0x121: {  	s5 =	sadd.s32 $0x1, s30;
	v8 =	vld [tilespmem:s12+$0xFFFFFFD0]  }
0x122: {  	v4 =	vmov s5;
	v9 =	vld [tilespmem:s12+$0xFFFFFFE0];
	_ =	sdelay $0x1  }
0x123: {  	v0 =	vmul.f32 v0, v5  }
0x124: {  	s4 =	simm.s32 $0xE8F0;
	v10 =	vld [tilespmem:s12+$0xFFFFFFF0];
	v1 =	vmul.f32 v1, v5;
	v11 =	vmul.f32 v2, v5  }
0x125: {  	v6 =	vimm.f32 $0.0e+00;
	v12 =	vld [tilespmem:s4+$0x0];
	v3 =	vmul.f32 v3, v5;
	v13 =	vmul.f32 v7, v5  }
0x126: {  	v14 =	vmul.f32 v8, v5;
	v15 =	vmul.f32 v9, v5;
	v2 =	vadd.f32 v0, v6;
	v0 =	vld.idx.msk [tilespmem:v4+s20+$0x0], $0xffff  }
0x127: {  	v9 =	vimm.f32 $0.0e+00;
	v7 =	vadd.f32 v1, v6;
	v4 =	vadd.f32 v11, v6;
	v11 =	vld [tilespmem:s4+$0xFFFFFF90]  }
0x128: {  	s6 =	sadd.s32 $0x2, s30;
	s5 =	simm.s32 $0x3;
	v8 =	vimm.f32 $0.0e+00;
	v1 =	vadd.f32 v3, v6;
	v3 =	vadd.f32 v13, v6;
	v13 =	vld [tilespmem:s4+$0xFFFFFFA0]  }
.LBB2_15:
0x129: {  	p1 =	sne.s32 s5, $0x1F;
	v16 =	vmov s6;
	v17 =	vld [tilespmem:s4+$0xFFFFFFB0];
	v6 =	vadd.f32 v14, v6;
	v10 =	vmul.f32 v10, v5  }
0x12a: {  	v14 =	vld [tilespmem:s4+$0xFFFFFFC0];
	v9 =	vadd.f32 v15, v9  }
0x12b: {  	v5 =	vmov v0;
	v15 =	vld [tilespmem:s4+$0xFFFFFFD0];
	v12 =	vmul.f32 v12, v0;
	v8 =	vadd.f32 v10, v8  }
0x12c: {  	v11 =	vmul.f32 v11, v5;
	v18 =	vld [tilespmem:s4+$0xFFFFFFE0]  }
.Ltmp8:
0x12d: {  	v13 =	vmul.f32 v13, v5;
	v10 =	vld [tilespmem:s4+$0xFFFFFFF0];
	v2 =	vadd.f32 v12, v2;
	(pc) =	sbr.rel @p1 .LBB2_15-.Ltmp8, $4  }
0x12e: {  	s4 =	sadd.s32 $0x80, s4;
	v0 =	vld.idx.msk [tilespmem:v16+s20+$0x0], $0xffff;
	v7 =	vadd.f32 v11, v7;
	v16 =	vmul.f32 v17, v5  }
0x12f: {  	v12 =	vld [tilespmem:s4+$0x0];
	v4 =	vadd.f32 v13, v4;
	v17 =	vmul.f32 v14, v5  }
0x130: {  	v11 =	vld [tilespmem:s4+$0xFFFFFF90];
	v1 =	vadd.f32 v16, v1;
	v14 =	vmul.f32 v15, v5  }
0x131: {  	s6 =	sadd.s32 s5, s30;
	s5 =	sadd.s32 $0x1, s5;
	v13 =	vld [tilespmem:s4+$0xFFFFFFA0];
	v3 =	vadd.f32 v17, v3;
	v15 =	vmul.f32 v18, v5  }
0x132: {  	v17 =	vld [tilespmem:s4+$0xFFFFFFB0]  }
0x133: {  	v16 =	vmov s6;
	v18 =	vld [tilespmem:s4+$0xFFFFFFC0]  }
0x134: {  	v19 =	vld [tilespmem:s4+$0xFFFFFFD0]  }
0x135: {  	v20 =	vld [tilespmem:s4+$0xFFFFFFE0]  }
0x136: {  	v21 =	vld [tilespmem:s4+$0xFFFFFFF0];
	s5 =	sadd.s32 $0x80, s4  }
0x137: {  	v22 =	vld [tilespmem:s5+$0xFFFFFF90]  }
0x138: {  	v5 =	vmul.f32 v10, v5;
	v16 =	vld.idx.msk [tilespmem:v16+s20+$0x0], $0xffff  }
0x139: {  	v6 =	vadd.f32 v14, v6;
	v10 =	vmul.f32 v12, v0;
	v12 =	vld [tilespmem:s5+$0xFFFFFFA0];
	v11 =	vmul.f32 v11, v0  }
0x13a: {  	v9 =	vadd.f32 v15, v9;
	v14 =	vld [tilespmem:s5+$0xFFFFFFB0];
	v5 =	vadd.f32 v5, v8;
	v8 =	vmul.f32 v13, v0  }
0x13b: {  	v2 =	vadd.f32 v10, v2;
	v10 =	vld [tilespmem:s5+$0xFFFFFFC0];
	v7 =	vadd.f32 v11, v7  }
0x13c: {  	v15 =	vld [tilespmem:s5+$0xFFFFFFD0];
	v11 =	vmul.f32 v17, v0;
	v4 =	vadd.f32 v8, v4;
	v8 =	vmul.f32 v19, v0  }
0x13d: {  	v63 =	vld [tilespmem:s5+$0xFFFFFFE0];
	v13 =	vmul.f32 v18, v0;
	v17 =	vmul.f32 v22, v16  }
0x13e: {  	v1 =	vadd.f32 v11, v1;
	v6 =	vadd.f32 v8, v6;
	v8 =	vld [tilespmem:s5+$0x0];
	v11 =	vmul.f32 v12, v16  }
0x13f: {  	v3 =	vadd.f32 v13, v3;
	v12 =	vld [tilespmem:s5+$0xFFFFFFF0];
	v13 =	vmul.f32 v14, v16;
	v7 =	vadd.f32 v17, v7  }
0x140: {  	v10 =	vmul.f32 v10, v16;
	v4 =	vadd.f32 v11, v4;
	v11 =	vmul.f32 v20, v0  }
0x141: {  	v0 =	vmul.f32 v21, v0;
	v1 =	vadd.f32 v13, v1;
	v13 =	vmul.f32 v15, v16;
	[tilespmem:$0x14900] =	vst v7  }
0x142: {  	v3 =	vadd.f32 v10, v3;
	v7 =	vadd.f32 v11, v9;
	v9 =	vmul.f32 v63, v16;
	[tilespmem:$0x14910] =	vst v4  }
0x143: {  	s6 =	sadd.s32 $0x0, s31;
	v0 =	vadd.f32 v0, v5;
	v4 =	vadd.f32 v13, v6;
	[tilespmem:$0x14920] =	vst v1;
	v1 =	vmul.f32 v8, v16  }
0x144: {  	[tilespmem:$0x14930] =	vst v3;
	v3 =	vmov s6;
	v5 =	vmul.f32 v12, v16;
	v6 =	vadd.f32 v9, v7  }
0x145: {  	[tilespmem:$0x14940] =	vst v4;
	v1 =	vadd.f32 v1, v2  }
0x146: {  	v0 =	vadd.f32 v5, v0;
	[tilespmem:$0x14950] =	vst v6  }
0x147: {  	[tilespmem:$0x14970] =	vst v1  }
0x148: {  	[tilespmem:$0x14960] =	vst v0  }
0x149: {  	s12 =	simm.s32 $0xF870;
	v2 =	vld.idx.msk [tilespmem:v3+s20+$0x0], $0xffff  }
0x14a: {  	v0 =	vld [tilespmem:s12+$0x0]  }
0x14b: {  	v1 =	vld [tilespmem:s12+$0xFFFFFF90]  }
0x14c: {  	v3 =	vld [tilespmem:s12+$0xFFFFFFA0]  }
0x14d: {  	v4 =	vld [tilespmem:s12+$0xFFFFFFB0]  }
0x14e: {  	s5 =	sadd.s32 $0x1, s31;
	v7 =	vld [tilespmem:s12+$0xFFFFFFC0]  }
0x14f: {  	v6 =	vmov s5;
	v9 =	vld [tilespmem:s12+$0xFFFFFFD0]  }
0x150: {  	v11 =	vld [tilespmem:s12+$0xFFFFFFE0];
	_ =	sdelay $0x1  }
0x151: {  	v0 =	vmul.f32 v0, v2  }
0x152: {  	v10 =	vld [tilespmem:s12+$0xFFFFFFF0];
	v8 =	vmul.f32 v1, v2;
	v3 =	vmul.f32 v3, v2  }
0x153: {  	s4 =	simm.s32 $0xF8F0;
	v5 =	vimm.f32 $0.0e+00;
	v1 =	vld.idx.msk [tilespmem:v6+s20+$0x0], $0xffff;
	v4 =	vmul.f32 v4, v2;
	v13 =	vmul.f32 v7, v2  }
0x154: {  	v14 =	vmul.f32 v9, v2;
	v15 =	vmul.f32 v11, v2;
	v7 =	vadd.f32 v8, v5;
	v8 =	vld [tilespmem:s4+$0x0]  }
0x155: {  	v12 =	vld [tilespmem:s4+$0xFFFFFF90];
	v11 =	vimm.f32 $0.0e+00;
	v0 =	vadd.f32 v0, v5;
	v3 =	vadd.f32 v3, v5  }
0x156: {  	s6 =	sadd.s32 $0x2, s31;
	s5 =	simm.s32 $0x3;
	v9 =	vimm.f32 $0.0e+00;
	v6 =	vadd.f32 v4, v5;
	v4 =	vadd.f32 v13, v5;
	v13 =	vld [tilespmem:s4+$0xFFFFFFA0]  }
.LBB2_17:
0x157: {  	p1 =	sne.s32 s5, $0x1F;
	v16 =	vmov s6;
	v17 =	vld [tilespmem:s4+$0xFFFFFFB0];
	v5 =	vadd.f32 v14, v5;
	v10 =	vmul.f32 v10, v2  }
0x158: {  	v14 =	vld [tilespmem:s4+$0xFFFFFFC0];
	v11 =	vadd.f32 v15, v11  }
0x159: {  	v2 =	vmov v1;
	v15 =	vld [tilespmem:s4+$0xFFFFFFD0];
	v8 =	vmul.f32 v8, v1;
	v9 =	vadd.f32 v10, v9  }
0x15a: {  	v12 =	vmul.f32 v12, v2;
	v18 =	vld [tilespmem:s4+$0xFFFFFFE0]  }
.Ltmp9:
0x15b: {  	v13 =	vmul.f32 v13, v2;
	v10 =	vld [tilespmem:s4+$0xFFFFFFF0];
	v0 =	vadd.f32 v8, v0;
	(pc) =	sbr.rel @p1 .LBB2_17-.Ltmp9, $4  }
0x15c: {  	s4 =	sadd.s32 $0x80, s4;
	v1 =	vld.idx.msk [tilespmem:v16+s20+$0x0], $0xffff;
	v7 =	vadd.f32 v12, v7;
	v16 =	vmul.f32 v17, v2  }
0x15d: {  	v8 =	vld [tilespmem:s4+$0x0];
	v3 =	vadd.f32 v13, v3;
	v17 =	vmul.f32 v14, v2  }
0x15e: {  	v12 =	vld [tilespmem:s4+$0xFFFFFF90];
	v6 =	vadd.f32 v16, v6;
	v14 =	vmul.f32 v15, v2  }
0x15f: {  	s6 =	sadd.s32 s5, s31;
	s5 =	sadd.s32 $0x1, s5;
	v13 =	vld [tilespmem:s4+$0xFFFFFFA0];
	v4 =	vadd.f32 v17, v4;
	v15 =	vmul.f32 v18, v2  }
0x160: {  	v17 =	vld [tilespmem:s4+$0xFFFFFFB0]  }
0x161: {  	v16 =	vmov s6;
	v18 =	vld [tilespmem:s4+$0xFFFFFFC0]  }
0x162: {  	v19 =	vld [tilespmem:s4+$0xFFFFFFD0]  }
0x163: {  	v20 =	vld [tilespmem:s4+$0xFFFFFFE0]  }
0x164: {  	v21 =	vld [tilespmem:s4+$0xFFFFFFF0];
	s12 =	sadd.s32 $0x80, s4  }
0x165: {  	v22 =	vld [tilespmem:s12+$0xFFFFFF90]  }
0x166: {  	v16 =	vld.idx.msk [tilespmem:v16+s20+$0x0], $0xffff  }
0x167: {  	v2 =	vmul.f32 v10, v2;
	v10 =	vld [tilespmem:s12+$0xFFFFFFA0]  }
0x168: {  	v5 =	vadd.f32 v14, v5;
	v11 =	vadd.f32 v15, v11;
	v14 =	vld [tilespmem:s12+$0xFFFFFFB0];
	v12 =	vmul.f32 v12, v1  }
0x169: {  	v15 =	vld [tilespmem:s12+$0xFFFFFFC0];
	v2 =	vadd.f32 v2, v9;
	v9 =	vmul.f32 v13, v1;
	v13 =	vmul.f32 v17, v1  }
0x16a: {  	v63 =	vld [tilespmem:s12+$0xFFFFFFD0];
	v7 =	vadd.f32 v12, v7;
	v12 =	vmul.f32 v18, v1;
	v17 =	vmul.f32 v19, v1  }
0x16b: {  	v3 =	vadd.f32 v9, v3;
	v6 =	vadd.f32 v13, v6;
	v13 =	vld [tilespmem:s12+$0xFFFFFFE0];
	v9 =	vmul.f32 v22, v16  }
0x16c: {  	v8 =	vmul.f32 v8, v1;
	v4 =	vadd.f32 v12, v4;
	v12 =	vld [tilespmem:s12+$0xFFFFFFF0];
	v10 =	vmul.f32 v10, v16  }
0x16d: {  	v5 =	vadd.f32 v17, v5;
	v14 =	vmul.f32 v14, v16;
	v7 =	vadd.f32 v9, v7;
	v9 =	vld [tilespmem:s12+$0x0]  }
0x16e: {  	v15 =	vmul.f32 v15, v16;
	v3 =	vadd.f32 v10, v3;
	v10 =	vmul.f32 v20, v1  }
0x16f: {  	v1 =	vmul.f32 v21, v1;
	v6 =	vadd.f32 v14, v6;
	v14 =	vmul.f32 v63, v16;
	[tilespmem:$0x14980] =	vst v7  }
0x170: {  	v4 =	vadd.f32 v15, v4;
	v7 =	vadd.f32 v10, v11;
	v10 =	vmul.f32 v13, v16;
	[tilespmem:$0x14990] =	vst v3  }
0x171: {  	v1 =	vadd.f32 v1, v2;
	v2 =	vadd.f32 v14, v5;
	v3 =	vmul.f32 v12, v16;
	[tilespmem:$0x149A0] =	vst v6  }
0x172: {  	v0 =	vadd.f32 v8, v0;
	[tilespmem:$0x149B0] =	vst v4;
	v6 =	vadd.f32 v10, v7;
	v5 =	vmul.f32 v9, v16  }
0x173: {  	v1 =	vadd.f32 v3, v1;
	[tilespmem:$0x149C0] =	vst v2  }
0x174: {  	[tilespmem:$0x149D0] =	vst v6;
	v0 =	vadd.f32 v5, v0  }
0x175: {  	s5 =	sshll.u32 s18, $0x7;
	[tilespmem:$0x149E0] =	vst v1  }
0x176: {  	p1 =	seq.s32 s18, $0x27;
	s4 =	sadd.s32 s5, s8;
	[tilespmem:$0x149F0] =	vst v0  }
0x177: {  	[hbm4b:s4+s2] =	stream.linear.scatter [tilespmem:s21], [sflag:$0x3], $0x200, $0x38;
	[tilespmem:$0x14C00] =	vst v63  }
0x178: {  	s4 =	sshll.u32 @!p1 s18, $0x8  }
0x179: {  	s4 =	sand.u32 @!p1 $0x3FFFFF00, s4  }
0x17a: {  	s5 =	simm.s32 @!p1 $0x80;
	s6 =	simm.s32 @!p1 $0xC800;
	s4 =	sadd.s32 @!p1 $0x5100, s4  }
0x17b: {  	[tilespmem:s6], [sflag:$0x1] =	stream.indirect.gather @!p1 [hbm4b:s3+s5], $0x80, s4, s5, $0xb8;
	[tilespmem:$0x14C00] =	vst v63  }
0x17c: {  	_ =	swait.ge [sflag:s22], $0x4000  }
0x17d: {  	v0 =	vmov s0;
	[sflag:s22] =	ssyncset.done $0x0  }
0x17e: {  	s4 =	simm.s32 @!p0 $0x4;
	[sflag:s22] =	ssyncadd.s32 $0xFFFFC000  }
0x17f: {  	_ =	swait.ge @!p0 [sflag:s4], $0x200  }
0x180: {  	[sflag:s4] =	ssyncset.done @!p0 $0x0  }
0x181: {  	[sflag:s4] =	ssyncadd.s32 @!p0 $0xFFFFFE00  }
0x182: {  	s6 =	simm.s32 $0x0;
	v8 =	vld.idx.msk [tilespmem:v0+s20+$0x0], $0xffff  }
0x183: {  	v0 =	vld [tilespmem:s6+$0x10870]  }
0x184: {  	v1 =	vld [tilespmem:s6+$0x10800]  }
0x185: {  	v2 =	vld [tilespmem:s6+$0x10810]  }
0x186: {  	v4 =	vld [tilespmem:s6+$0x10820]  }
0x187: {  	s12 =	sadd.s32 $0x1, s0;
	v7 =	vld [tilespmem:s6+$0x10830]  }
0x188: {  	v3 =	vmov s12;
	v11 =	vld [tilespmem:s6+$0x10840]  }
0x189: {  	v12 =	vld [tilespmem:s6+$0x10850]  }
0x18a: {  	v15 =	vld [tilespmem:s6+$0x10860]  }
0x18b: {  	s4 =	simm.s32 $0x80;
	v6 =	vmul.f32 v0, v8;
	v1 =	vmul.f32 v1, v8  }
0x18c: {  	v5 =	vimm.f32 $0.0e+00;
	s5 =	sadd.s32 $0x1, s12;
	v9 =	vld [tilespmem:s4+$0x10870];
	v2 =	vmul.f32 v2, v8;
	v4 =	vmul.f32 v4, v8  }
0x18d: {  	v13 =	vmov s5;
	v0 =	vld.idx.msk [tilespmem:v3+s20+$0x0], $0xffff;
	v7 =	vmul.f32 v7, v8;
	v16 =	vmul.f32 v11, v8  }
0x18e: {  	v10 =	vld [tilespmem:s4+$0x10800];
	v14 =	vmul.f32 v12, v8;
	v6 =	vadd.f32 v6, v5;
	v3 =	vadd.f32 v1, v5  }
0x18f: {  	v11 =	vld [tilespmem:s4+$0x10810];
	v15 =	vmul.f32 v15, v8;
	v2 =	vadd.f32 v2, v5;
	v1 =	vadd.f32 v4, v5  }
0x190: {  	s11 =	sor.u32 $0x1, s11;
	s12 =	simm.s32 $0x400;
	s6 =	simm.s32 $0x600;
	v12 =	vld [tilespmem:s4+$0x10820];
	v8 =	vimm.f32 $0.0e+00;
	v4 =	vadd.f32 v7, v5;
	v7 =	vadd.f32 v16, v5  }
.LBB2_19:
0x191: {  	p0 =	sne.s32 s6, $0x3E00;
	v16 =	vld [tilespmem:s4+$0x10830];
	v5 =	vadd.f32 v14, v5  }
0x192: {  	v14 =	vld [tilespmem:s4+$0x10840];
	v9 =	vmul.f32 v9, v0;
	v8 =	vadd.f32 v15, v8;
	v15 =	vmov v0  }
0x193: {  	v10 =	vmul.f32 v10, v15;
	v17 =	vld [tilespmem:s4+$0x10850]  }
0x194: {  	v11 =	vmul.f32 v11, v15;
	v18 =	vld [tilespmem:s4+$0x10860];
	v6 =	vadd.f32 v9, v6  }
.Ltmp10:
0x195: {  	s4 =	sshra.s32 s12, $0x2;
	s12 =	smov.u32 s6;
	v0 =	vld.idx.msk [tilespmem:v13+s20+$0x0], $0xffff;
	v3 =	vadd.f32 v10, v3;
	v12 =	vmul.f32 v12, v15;
	(pc) =	sbr.rel @p0 .LBB2_19-.Ltmp10, $4  }
0x196: {  	v9 =	vld [tilespmem:s4+$0x10870];
	v2 =	vadd.f32 v11, v2;
	v13 =	vmul.f32 v16, v15  }
0x197: {  	v10 =	vld [tilespmem:s4+$0x10800];
	v1 =	vadd.f32 v12, v1;
	v16 =	vmul.f32 v14, v15  }
0x198: {  	s5 =	sadd.s32 $0x1, s5;
	v11 =	vld [tilespmem:s4+$0x10810];
	v4 =	vadd.f32 v13, v4;
	v14 =	vmul.f32 v17, v15  }
0x199: {  	s6 =	sadd.s32 $0x200, s6;
	v13 =	vmov s5;
	v12 =	vld [tilespmem:s4+$0x10820];
	v7 =	vadd.f32 v16, v7;
	v15 =	vmul.f32 v18, v15  }
0x19a: {  	v16 =	vld [tilespmem:s4+$0x10830]  }
0x19b: {  	v17 =	vld [tilespmem:s4+$0x10840]  }
0x19c: {  	v18 =	vld [tilespmem:s4+$0x10850]  }
0x19d: {  	v19 =	vld [tilespmem:s4+$0x10860]  }
0x19e: {  	v13 =	vld.idx.msk [tilespmem:v13+s20+$0x0], $0xffff;
	s6 =	sshra.s32 s12, $0x2  }
0x19f: {  	v20 =	vld [tilespmem:s6+$0x10800]  }
0x1a0: {  	v9 =	vmul.f32 v9, v0;
	v21 =	vld [tilespmem:s6+$0x10810]  }
0x1a1: {  	v5 =	vadd.f32 v14, v5;
	v14 =	vld [tilespmem:s6+$0x10820];
	v10 =	vmul.f32 v10, v0  }
0x1a2: {  	v8 =	vadd.f32 v15, v8;
	v11 =	vmul.f32 v11, v0;
	v6 =	vadd.f32 v9, v6;
	v9 =	vld [tilespmem:s6+$0x10830]  }
0x1a3: {  	v15 =	vld [tilespmem:s6+$0x10840];
	v3 =	vadd.f32 v10, v3;
	v10 =	vmul.f32 v12, v0;
	v12 =	vmul.f32 v16, v0  }
0x1a4: {  	v2 =	vadd.f32 v11, v2;
	v11 =	vmul.f32 v17, v0;
	v17 =	vld [tilespmem:s6+$0x10850];
	v16 =	vmul.f32 v20, v13  }
0x1a5: {  	v1 =	vadd.f32 v10, v1;
	v10 =	vmul.f32 v21, v13;
	v4 =	vadd.f32 v12, v4;
	v12 =	vld [tilespmem:s6+$0x10860]  }
0x1a6: {  	v14 =	vmul.f32 v14, v13;
	v7 =	vadd.f32 v11, v7;
	v11 =	vld [tilespmem:s6+$0x10870];
	v3 =	vadd.f32 v16, v3  }
0x1a7: {  	v2 =	vadd.f32 v10, v2;
	v10 =	vmul.f32 v18, v0;
	v9 =	vmul.f32 v9, v13  }
0x1a8: {  	v0 =	vmul.f32 v19, v0;
	v1 =	vadd.f32 v14, v1;
	v14 =	vmul.f32 v15, v13;
	[tilespmem:$0x14A00] =	vst v3  }
0x1a9: {  	v3 =	vadd.f32 v10, v5;
	v4 =	vadd.f32 v9, v4;
	v5 =	vmul.f32 v17, v13;
	[tilespmem:$0x14A10] =	vst v2  }
0x1aa: {  	v0 =	vadd.f32 v0, v8;
	v2 =	vadd.f32 v14, v7;
	[tilespmem:$0x14A20] =	vst v1;
	v7 =	vmul.f32 v12, v13  }
0x1ab: {  	v1 =	vmul.f32 v11, v13;
	v3 =	vadd.f32 v5, v3;
	[tilespmem:$0x14A30] =	vst v4;
	v4 =	vmov s1  }
0x1ac: {  	[tilespmem:$0x14A40] =	vst v2;
	v0 =	vadd.f32 v7, v0  }
0x1ad: {  	v1 =	vadd.f32 v1, v6;
	[tilespmem:$0x14A50] =	vst v3  }
0x1ae: {  	[tilespmem:$0x14A60] =	vst v0  }
0x1af: {  	[tilespmem:$0x14A70] =	vst v1  }
0x1b0: {  	s12 =	simm.s32 $0x0;
	v8 =	vld.idx.msk [tilespmem:v4+s20+$0x0], $0xffff  }
0x1b1: {  	v0 =	vld [tilespmem:s12+$0x11870]  }
0x1b2: {  	v1 =	vld [tilespmem:s12+$0x11800]  }
0x1b3: {  	v2 =	vld [tilespmem:s12+$0x11810]  }
0x1b4: {  	v4 =	vld [tilespmem:s12+$0x11820]  }
0x1b5: {  	s5 =	sadd.s32 $0x1, s1;
	v7 =	vld [tilespmem:s12+$0x11830]  }
0x1b6: {  	v3 =	vmov s5;
	v11 =	vld [tilespmem:s12+$0x11840]  }
0x1b7: {  	v12 =	vld [tilespmem:s12+$0x11850]  }
0x1b8: {  	v15 =	vld [tilespmem:s12+$0x11860]  }
0x1b9: {  	s4 =	simm.s32 $0x80;
	v6 =	vmul.f32 v0, v8;
	v1 =	vmul.f32 v1, v8  }
0x1ba: {  	v5 =	vimm.f32 $0.0e+00;
	s5 =	sadd.s32 $0x1, s5;
	v9 =	vld [tilespmem:s4+$0x11870];
	v2 =	vmul.f32 v2, v8;
	v4 =	vmul.f32 v4, v8  }
0x1bb: {  	v13 =	vmov s5;
	v0 =	vld.idx.msk [tilespmem:v3+s20+$0x0], $0xffff;
	v7 =	vmul.f32 v7, v8;
	v16 =	vmul.f32 v11, v8  }
0x1bc: {  	v10 =	vld [tilespmem:s4+$0x11800];
	v14 =	vmul.f32 v12, v8;
	v6 =	vadd.f32 v6, v5;
	v3 =	vadd.f32 v1, v5  }
0x1bd: {  	v11 =	vld [tilespmem:s4+$0x11810];
	v15 =	vmul.f32 v15, v8;
	v2 =	vadd.f32 v2, v5;
	v1 =	vadd.f32 v4, v5  }
0x1be: {  	s6 =	simm.s32 $0x600;
	s12 =	simm.s32 $0x400;
	v12 =	vld [tilespmem:s4+$0x11820];
	v8 =	vimm.f32 $0.0e+00;
	v4 =	vadd.f32 v7, v5;
	v7 =	vadd.f32 v16, v5  }
.LBB2_21:
0x1bf: {  	p0 =	sne.s32 s6, $0x3E00;
	v16 =	vld [tilespmem:s4+$0x11830];
	v5 =	vadd.f32 v14, v5  }
0x1c0: {  	v14 =	vld [tilespmem:s4+$0x11840];
	v9 =	vmul.f32 v9, v0;
	v8 =	vadd.f32 v15, v8;
	v15 =	vmov v0  }
0x1c1: {  	v10 =	vmul.f32 v10, v15;
	v17 =	vld [tilespmem:s4+$0x11850]  }
0x1c2: {  	v11 =	vmul.f32 v11, v15;
	v18 =	vld [tilespmem:s4+$0x11860];
	v6 =	vadd.f32 v9, v6  }
.Ltmp11:
0x1c3: {  	s4 =	sshra.s32 s12, $0x2;
	s12 =	smov.u32 s6;
	v0 =	vld.idx.msk [tilespmem:v13+s20+$0x0], $0xffff;
	v3 =	vadd.f32 v10, v3;
	v12 =	vmul.f32 v12, v15;
	(pc) =	sbr.rel @p0 .LBB2_21-.Ltmp11, $4  }
0x1c4: {  	v9 =	vld [tilespmem:s4+$0x11870];
	v2 =	vadd.f32 v11, v2;
	v13 =	vmul.f32 v16, v15  }
0x1c5: {  	v10 =	vld [tilespmem:s4+$0x11800];
	v1 =	vadd.f32 v12, v1;
	v16 =	vmul.f32 v14, v15  }
0x1c6: {  	s5 =	sadd.s32 $0x1, s5;
	v11 =	vld [tilespmem:s4+$0x11810];
	v4 =	vadd.f32 v13, v4;
	v14 =	vmul.f32 v17, v15  }
0x1c7: {  	s6 =	sadd.s32 $0x200, s6;
	v13 =	vmov s5;
	v12 =	vld [tilespmem:s4+$0x11820];
	v7 =	vadd.f32 v16, v7;
	v15 =	vmul.f32 v18, v15  }
0x1c8: {  	v16 =	vld [tilespmem:s4+$0x11830]  }
0x1c9: {  	v17 =	vld [tilespmem:s4+$0x11840]  }
0x1ca: {  	v18 =	vld [tilespmem:s4+$0x11850]  }
0x1cb: {  	v19 =	vld [tilespmem:s4+$0x11860]  }
0x1cc: {  	v13 =	vld.idx.msk [tilespmem:v13+s20+$0x0], $0xffff;
	s6 =	sshra.s32 s12, $0x2  }
0x1cd: {  	v20 =	vld [tilespmem:s6+$0x11800]  }
0x1ce: {  	v9 =	vmul.f32 v9, v0;
	v21 =	vld [tilespmem:s6+$0x11810]  }
0x1cf: {  	v5 =	vadd.f32 v14, v5;
	v14 =	vld [tilespmem:s6+$0x11820];
	v10 =	vmul.f32 v10, v0  }
0x1d0: {  	v8 =	vadd.f32 v15, v8;
	v11 =	vmul.f32 v11, v0;
	v6 =	vadd.f32 v9, v6;
	v9 =	vld [tilespmem:s6+$0x11830]  }
0x1d1: {  	v15 =	vld [tilespmem:s6+$0x11840];
	v3 =	vadd.f32 v10, v3;
	v10 =	vmul.f32 v12, v0;
	v12 =	vmul.f32 v16, v0  }
0x1d2: {  	v2 =	vadd.f32 v11, v2;
	v11 =	vmul.f32 v17, v0;
	v17 =	vld [tilespmem:s6+$0x11850];
	v16 =	vmul.f32 v20, v13  }
0x1d3: {  	v1 =	vadd.f32 v10, v1;
	v10 =	vmul.f32 v21, v13;
	v4 =	vadd.f32 v12, v4;
	v12 =	vld [tilespmem:s6+$0x11860]  }
0x1d4: {  	v14 =	vmul.f32 v14, v13;
	v7 =	vadd.f32 v11, v7;
	v11 =	vld [tilespmem:s6+$0x11870];
	v3 =	vadd.f32 v16, v3  }
0x1d5: {  	v2 =	vadd.f32 v10, v2;
	v10 =	vmul.f32 v18, v0;
	v9 =	vmul.f32 v9, v13  }
0x1d6: {  	v0 =	vmul.f32 v19, v0;
	v1 =	vadd.f32 v14, v1;
	v14 =	vmul.f32 v15, v13;
	[tilespmem:$0x14A80] =	vst v3  }
0x1d7: {  	v3 =	vadd.f32 v10, v5;
	v4 =	vadd.f32 v9, v4;
	v5 =	vmul.f32 v17, v13;
	[tilespmem:$0x14A90] =	vst v2  }
0x1d8: {  	v0 =	vadd.f32 v0, v8;
	v2 =	vadd.f32 v14, v7;
	[tilespmem:$0x14AA0] =	vst v1;
	v7 =	vmul.f32 v12, v13  }
0x1d9: {  	v1 =	vmul.f32 v11, v13;
	v3 =	vadd.f32 v5, v3;
	[tilespmem:$0x14AB0] =	vst v4;
	v4 =	vmov s14  }
0x1da: {  	[tilespmem:$0x14AC0] =	vst v2;
	v0 =	vadd.f32 v7, v0  }
0x1db: {  	v1 =	vadd.f32 v1, v6;
	[tilespmem:$0x14AD0] =	vst v3  }
0x1dc: {  	[tilespmem:$0x14AE0] =	vst v0  }
0x1dd: {  	[tilespmem:$0x14AF0] =	vst v1  }
0x1de: {  	s12 =	simm.s32 $0x0;
	v8 =	vld.idx.msk [tilespmem:v4+s20+$0x0], $0xffff  }
0x1df: {  	v0 =	vld [tilespmem:s12+$0x12870]  }
0x1e0: {  	v1 =	vld [tilespmem:s12+$0x12800]  }
0x1e1: {  	v2 =	vld [tilespmem:s12+$0x12810]  }
0x1e2: {  	v4 =	vld [tilespmem:s12+$0x12820]  }
0x1e3: {  	s5 =	sadd.s32 $0x1, s14;
	v7 =	vld [tilespmem:s12+$0x12830]  }
0x1e4: {  	v3 =	vmov s5;
	v11 =	vld [tilespmem:s12+$0x12840]  }
0x1e5: {  	v12 =	vld [tilespmem:s12+$0x12850]  }
0x1e6: {  	v15 =	vld [tilespmem:s12+$0x12860]  }
0x1e7: {  	s4 =	simm.s32 $0x80;
	v6 =	vmul.f32 v0, v8;
	v1 =	vmul.f32 v1, v8  }
0x1e8: {  	v5 =	vimm.f32 $0.0e+00;
	s5 =	sadd.s32 $0x1, s5;
	v9 =	vld [tilespmem:s4+$0x12870];
	v2 =	vmul.f32 v2, v8;
	v4 =	vmul.f32 v4, v8  }
0x1e9: {  	v13 =	vmov s5;
	v0 =	vld.idx.msk [tilespmem:v3+s20+$0x0], $0xffff;
	v7 =	vmul.f32 v7, v8;
	v16 =	vmul.f32 v11, v8  }
0x1ea: {  	v10 =	vld [tilespmem:s4+$0x12800];
	v14 =	vmul.f32 v12, v8;
	v6 =	vadd.f32 v6, v5;
	v3 =	vadd.f32 v1, v5  }
0x1eb: {  	v11 =	vld [tilespmem:s4+$0x12810];
	v15 =	vmul.f32 v15, v8;
	v2 =	vadd.f32 v2, v5;
	v1 =	vadd.f32 v4, v5  }
0x1ec: {  	s6 =	simm.s32 $0x600;
	s12 =	simm.s32 $0x400;
	v12 =	vld [tilespmem:s4+$0x12820];
	v8 =	vimm.f32 $0.0e+00;
	v4 =	vadd.f32 v7, v5;
	v7 =	vadd.f32 v16, v5  }
.LBB2_23:
0x1ed: {  	p0 =	sne.s32 s6, $0x3E00;
	v16 =	vld [tilespmem:s4+$0x12830];
	v5 =	vadd.f32 v14, v5  }
0x1ee: {  	v14 =	vld [tilespmem:s4+$0x12840];
	v9 =	vmul.f32 v9, v0;
	v8 =	vadd.f32 v15, v8;
	v15 =	vmov v0  }
0x1ef: {  	v10 =	vmul.f32 v10, v15;
	v17 =	vld [tilespmem:s4+$0x12850]  }
0x1f0: {  	v11 =	vmul.f32 v11, v15;
	v18 =	vld [tilespmem:s4+$0x12860];
	v6 =	vadd.f32 v9, v6  }
.Ltmp12:
0x1f1: {  	s4 =	sshra.s32 s12, $0x2;
	s12 =	smov.u32 s6;
	v0 =	vld.idx.msk [tilespmem:v13+s20+$0x0], $0xffff;
	v3 =	vadd.f32 v10, v3;
	v12 =	vmul.f32 v12, v15;
	(pc) =	sbr.rel @p0 .LBB2_23-.Ltmp12, $4  }
0x1f2: {  	v9 =	vld [tilespmem:s4+$0x12870];
	v2 =	vadd.f32 v11, v2;
	v13 =	vmul.f32 v16, v15  }
0x1f3: {  	v10 =	vld [tilespmem:s4+$0x12800];
	v1 =	vadd.f32 v12, v1;
	v16 =	vmul.f32 v14, v15  }
0x1f4: {  	s5 =	sadd.s32 $0x1, s5;
	v11 =	vld [tilespmem:s4+$0x12810];
	v4 =	vadd.f32 v13, v4;
	v14 =	vmul.f32 v17, v15  }
0x1f5: {  	s6 =	sadd.s32 $0x200, s6;
	v13 =	vmov s5;
	v12 =	vld [tilespmem:s4+$0x12820];
	v7 =	vadd.f32 v16, v7;
	v15 =	vmul.f32 v18, v15  }
0x1f6: {  	v16 =	vld [tilespmem:s4+$0x12830]  }
0x1f7: {  	v17 =	vld [tilespmem:s4+$0x12840]  }
0x1f8: {  	v18 =	vld [tilespmem:s4+$0x12850]  }
0x1f9: {  	v19 =	vld [tilespmem:s4+$0x12860]  }
0x1fa: {  	v13 =	vld.idx.msk [tilespmem:v13+s20+$0x0], $0xffff;
	s6 =	sshra.s32 s12, $0x2  }
0x1fb: {  	v20 =	vld [tilespmem:s6+$0x12800]  }
0x1fc: {  	v9 =	vmul.f32 v9, v0;
	v21 =	vld [tilespmem:s6+$0x12810]  }
0x1fd: {  	v5 =	vadd.f32 v14, v5;
	v14 =	vld [tilespmem:s6+$0x12820];
	v10 =	vmul.f32 v10, v0  }
0x1fe: {  	v8 =	vadd.f32 v15, v8;
	v11 =	vmul.f32 v11, v0;
	v6 =	vadd.f32 v9, v6;
	v9 =	vld [tilespmem:s6+$0x12830]  }
0x1ff: {  	v15 =	vld [tilespmem:s6+$0x12840];
	v3 =	vadd.f32 v10, v3;
	v10 =	vmul.f32 v12, v0;
	v12 =	vmul.f32 v16, v0  }
0x200: {  	v2 =	vadd.f32 v11, v2;
	v11 =	vmul.f32 v17, v0;
	v17 =	vld [tilespmem:s6+$0x12850];
	v16 =	vmul.f32 v20, v13  }
0x201: {  	v1 =	vadd.f32 v10, v1;
	v10 =	vmul.f32 v21, v13;
	v4 =	vadd.f32 v12, v4;
	v12 =	vld [tilespmem:s6+$0x12860]  }
0x202: {  	v14 =	vmul.f32 v14, v13;
	v7 =	vadd.f32 v11, v7;
	v11 =	vld [tilespmem:s6+$0x12870];
	v3 =	vadd.f32 v16, v3  }
0x203: {  	v2 =	vadd.f32 v10, v2;
	v10 =	vmul.f32 v18, v0;
	v9 =	vmul.f32 v9, v13  }
0x204: {  	v0 =	vmul.f32 v19, v0;
	v1 =	vadd.f32 v14, v1;
	v14 =	vmul.f32 v15, v13;
	[tilespmem:$0x14B00] =	vst v3  }
0x205: {  	v3 =	vadd.f32 v10, v5;
	v4 =	vadd.f32 v9, v4;
	v5 =	vmul.f32 v17, v13;
	[tilespmem:$0x14B10] =	vst v2  }
0x206: {  	v0 =	vadd.f32 v0, v8;
	v2 =	vadd.f32 v14, v7;
	[tilespmem:$0x14B20] =	vst v1;
	v7 =	vmul.f32 v12, v13  }
0x207: {  	v1 =	vmul.f32 v11, v13;
	v3 =	vadd.f32 v5, v3;
	[tilespmem:$0x14B30] =	vst v4;
	v4 =	vmov s15  }
0x208: {  	[tilespmem:$0x14B40] =	vst v2;
	v0 =	vadd.f32 v7, v0  }
0x209: {  	v1 =	vadd.f32 v1, v6;
	[tilespmem:$0x14B50] =	vst v3  }
0x20a: {  	[tilespmem:$0x14B60] =	vst v0  }
0x20b: {  	[tilespmem:$0x14B70] =	vst v1  }
0x20c: {  	s12 =	simm.s32 $0x0;
	v9 =	vld.idx.msk [tilespmem:v4+s20+$0x0], $0xffff  }
0x20d: {  	v0 =	vld [tilespmem:s12+$0x13870]  }
0x20e: {  	v1 =	vld [tilespmem:s12+$0x13800]  }
0x20f: {  	v2 =	vld [tilespmem:s12+$0x13810]  }
0x210: {  	s5 =	sadd.s32 $0x1, s15;
	v4 =	vld [tilespmem:s12+$0x13820]  }
0x211: {  	v3 =	vmov s5;
	v6 =	vld [tilespmem:s12+$0x13830]  }
0x212: {  	v8 =	vld [tilespmem:s12+$0x13840]  }
0x213: {  	v12 =	vld [tilespmem:s12+$0x13850]  }
0x214: {  	v15 =	vld [tilespmem:s12+$0x13860]  }
0x215: {  	v5 =	vimm.f32 $0.0e+00;
	s5 =	sadd.s32 $0x1, s5;
	v7 =	vmul.f32 v1, v9  }
0x216: {  	s4 =	simm.s32 $0x80;
	v13 =	vmov s5;
	v0 =	vmul.f32 v0, v9;
	v2 =	vmul.f32 v2, v9;
	v1 =	vld.idx.msk [tilespmem:v3+s20+$0x0], $0xffff  }
0x217: {  	v4 =	vmul.f32 v4, v9;
	v6 =	vmul.f32 v6, v9;
	v3 =	vadd.f32 v7, v5;
	v7 =	vld [tilespmem:s4+$0x13870]  }
0x218: {  	v10 =	vld [tilespmem:s4+$0x13800];
	v8 =	vmul.f32 v8, v9;
	v14 =	vmul.f32 v12, v9;
	v0 =	vadd.f32 v0, v5  }
0x219: {  	v11 =	vld [tilespmem:s4+$0x13810];
	v15 =	vmul.f32 v15, v9;
	v2 =	vadd.f32 v2, v5;
	v4 =	vadd.f32 v4, v5  }
0x21a: {  	s6 =	simm.s32 $0x600;
	s12 =	simm.s32 $0x400;
	v12 =	vld [tilespmem:s4+$0x13820];
	v9 =	vimm.f32 $0.0e+00;
	v6 =	vadd.f32 v6, v5;
	v8 =	vadd.f32 v8, v5  }
.LBB2_25:
0x21b: {  	p0 =	sne.s32 s6, $0x3E00;
	v16 =	vld [tilespmem:s4+$0x13830];
	v5 =	vadd.f32 v14, v5  }
0x21c: {  	v14 =	vld [tilespmem:s4+$0x13840];
	v7 =	vmul.f32 v7, v1;
	v9 =	vadd.f32 v15, v9;
	v15 =	vmov v1  }
0x21d: {  	v10 =	vmul.f32 v10, v15;
	v17 =	vld [tilespmem:s4+$0x13850]  }
0x21e: {  	v11 =	vmul.f32 v11, v15;
	v18 =	vld [tilespmem:s4+$0x13860];
	v0 =	vadd.f32 v7, v0  }
.Ltmp13:
0x21f: {  	s4 =	sshra.s32 s12, $0x2;
	s12 =	smov.u32 s6;
	v1 =	vld.idx.msk [tilespmem:v13+s20+$0x0], $0xffff;
	v3 =	vadd.f32 v10, v3;
	v12 =	vmul.f32 v12, v15;
	(pc) =	sbr.rel @p0 .LBB2_25-.Ltmp13, $4  }
0x220: {  	v7 =	vld [tilespmem:s4+$0x13870];
	v2 =	vadd.f32 v11, v2;
	v13 =	vmul.f32 v16, v15  }
0x221: {  	v10 =	vld [tilespmem:s4+$0x13800];
	v4 =	vadd.f32 v12, v4;
	v16 =	vmul.f32 v14, v15  }
0x222: {  	s5 =	sadd.s32 $0x1, s5;
	v11 =	vld [tilespmem:s4+$0x13810];
	v6 =	vadd.f32 v13, v6;
	v14 =	vmul.f32 v17, v15  }
0x223: {  	s6 =	sadd.s32 $0x200, s6;
	v13 =	vmov s5;
	v12 =	vld [tilespmem:s4+$0x13820];
	v8 =	vadd.f32 v16, v8;
	v15 =	vmul.f32 v18, v15  }
0x224: {  	v16 =	vld [tilespmem:s4+$0x13830]  }
0x225: {  	v17 =	vld [tilespmem:s4+$0x13840]  }
0x226: {  	v18 =	vld [tilespmem:s4+$0x13850]  }
0x227: {  	v19 =	vld [tilespmem:s4+$0x13860]  }
0x228: {  	v13 =	vld.idx.msk [tilespmem:v13+s20+$0x0], $0xffff;
	s6 =	sshra.s32 s12, $0x2  }
0x229: {  	v20 =	vld [tilespmem:s6+$0x13800]  }
0x22a: {  	v21 =	vld [tilespmem:s6+$0x13810]  }
0x22b: {  	v5 =	vadd.f32 v14, v5;
	v45 =	vld [tilespmem:s6+$0x13820];
	v7 =	vmul.f32 v7, v1  }
0x22c: {  	v9 =	vadd.f32 v15, v9;
	v54 =	vld [tilespmem:s6+$0x13870];
	v10 =	vmul.f32 v10, v1;
	v11 =	vmul.f32 v11, v1  }
0x22d: {  	v46 =	vld [tilespmem:s6+$0x13830];
	v0 =	vadd.f32 v7, v0;
	v12 =	vmul.f32 v12, v1;
	v47 =	vmul.f32 v16, v1  }
0x22e: {  	v49 =	vld [tilespmem:s6+$0x13840];
	v3 =	vadd.f32 v10, v3;
	v48 =	vmul.f32 v17, v1;
	v50 =	vmul.f32 v20, v13  }
0x22f: {  	v53 =	vld [tilespmem:s6+$0x13860];
	v2 =	vadd.f32 v11, v2;
	v55 =	vmul.f32 v18, v1;
	v52 =	vmul.f32 v21, v13  }
0x230: {  	v51 =	vld [tilespmem:s6+$0x13850];
	v4 =	vadd.f32 v12, v4;
	v14 =	vmul.f32 v45, v13;
	v3 =	vadd.f32 v50, v3  }
0x231: {  	v56 =	vmul.f32 v19, v1;
	v63 =	vmul.f32 v54, v13;
	v2 =	vadd.f32 v52, v2  }
0x232: {  	v15 =	vmul.f32 v46, v13;
	v6 =	vadd.f32 v47, v6;
	v4 =	vadd.f32 v14, v4;
	[tilespmem:$0x14B80] =	vst v3  }
0x233: {  	v57 =	vmul.f32 v49, v13;
	v8 =	vadd.f32 v48, v8;
	v0 =	vadd.f32 v63, v0;
	[tilespmem:$0x14B90] =	vst v2  }
0x234: {  	v62 =	vmul.f32 v53, v13;
	v1 =	vadd.f32 v56, v9;
	v59 =	vadd.f32 v15, v6;
	[tilespmem:$0x14BA0] =	vst v4  }
0x235: {  	v60 =	vmul.f32 v51, v13;
	v58 =	vadd.f32 v55, v5;
	v61 =	vadd.f32 v57, v8;
	[tilespmem:$0x14BF0] =	vst v0  }
.Ltmp14:
0x236: {  	v1 =	vadd.f32 v62, v1;
	[tilespmem:$0x14BB0] =	vst v59;
	(pc) =	sbr.rel @p1 .LBB2_28-.Ltmp14, $4  }
0x237: {  	v3 =	vadd.f32 v60, v58;
	[tilespmem:$0x14BC0] =	vst v61  }
0x238: {  	s12 =	sshll.u32 s11, $0x6;
	[tilespmem:$0x14BE0] =	vst v1  }
0x239: {  	s4 =	sadd.s32 s12, s8;
	[tilespmem:$0x14BD0] =	vst v3  }
0x23a: {  	[hbm4b:s4+s2] =	stream.linear.scatter [tilespmem:s23], [sflag:$0x4], $0x200, $0x38;
	[tilespmem:$0x14C00] =	vst v63  }
0x23b: {  	s4 =	sshll.u32 s18, $0x8  }
.Ltmp15:
0x23c: {  	s18 =	sadd.s32 $0x1, s18;
	s28 =	sadd.s32 $0x100, s28;
	(pc) =	sbr.rel .LBB2_4-.Ltmp15, $4  }
0x23d: {  	s29 =	sadd.s32 $0x100, s29;
	s30 =	sadd.s32 $0x100, s30;
	s31 =	sadd.s32 $0x100, s31  }
0x23e: {  	s0 =	sadd.s32 $0x100, s0;
	s1 =	sadd.s32 $0x100, s1;
	s4 =	sand.u32 $0x3FFFFF00, s4  }
0x23f: {  	s14 =	sadd.s32 $0x100, s14;
	s15 =	sadd.s32 $0x100, s15;
	s4 =	sadd.s32 $0x5180, s4  }
0x240: {  	[tilespmem:s16], [sflag:$0x2] =	stream.indirect.gather [hbm4b:s3+s10], $0x80, s4, s10, $0xb8;
	[tilespmem:$0x14C00] =	vst v63  }
.LBB2_5:
.Ltmp16:
0x241: {  	(pc) =	sbr.rel .LBB2_12-.Ltmp16, $4  }
0x242: {  	_ = 	snop  }
0x243: {  	v9 =	vimm.f32 $0.0e+00;
	v10 =	vimm.f32 $0.0e+00  }
0x244: {  	v11 =	vimm.f32 $0.0e+00;
	v1 =	vimm.f32 $0.0e+00;
	v2 =	vimm.f32 $0.0e+00  }
0x245: {  	s4 =	simm.s32 $0xC840;
	v4 =	vimm.f32 $0.0e+00;
	v5 =	vimm.f32 $0.0e+00;
	v8 =	vimm.f32 $0.0e+00  }
.LBB2_7:
.Ltmp17:
0x246: {  	(pc) =	sbr.rel .LBB2_12-.Ltmp17, $4  }
0x247: {  	_ = 	snop  }
0x248: {  	v9 =	vimm.f32 $0.0e+00;
	v10 =	vimm.f32 $0.0e+00  }
0x249: {  	v11 =	vimm.f32 $0.0e+00;
	v1 =	vimm.f32 $0.0e+00;
	v2 =	vimm.f32 $0.0e+00  }
0x24a: {  	s4 =	simm.s32 $0xC840;
	v4 =	vimm.f32 $0.0e+00;
	v5 =	vimm.f32 $0.0e+00;
	v8 =	vimm.f32 $0.0e+00  }
.LBB2_9:
.Ltmp18:
0x24b: {  	(pc) =	sbr.rel .LBB2_12-.Ltmp18, $2  }
0x24c: {  	_ =	sdelay $0x2  }
0x24d: {  	v17 =	vmovc v3;
	v9 =	vimm.f32 $0.0e+00;
	v10 =	vimm.f32 $0.0e+00;
	v11 =	vimm.f32 $0.0e+00;
	v3 =	vmovc v15  }
.LBB2_29:
0x24e: {  	_ =	sfence.sel $0x180000  }
0x24f: {  	[bflag:$0x0] =	sbarrier.arrive $0xFFFF  }
0x250: {  	_ =	strace $0x90000047  }
0x251: {  	s0 =	stileid.u32;
	[bflag:$0x2] =	sbarrier.arrive $0xFFFF  }
0x252: {  	p0 =	sne.s32 s0, $0x0;
	s0 =	rddreg [dreg:$0x2]  }
0x253: {  	s0 =	sadd.s32 @!p0 $0x100000, s0  }
0x254: {  	[sflag:s0] =	ssyncadd.tile.s32 @!p0 $0x1;
	_ =	shalt  }
.Lfunc_end2:
_tile_overlayer_lowered:
.L_overlay_start_2:
0x255: {  	(tag) =	ssettag $0x2  }
0x256: {  	s0 =	rddreg [dreg:$0x0];
	s2 =	stileid.u32  }
0x257: {  	s1 =	rddreg [dreg:$0x1];
	p0 =	sne.s32 s2, $0x0  }
0x258: {  	s3 =	rddreg [dreg:$0x2];
	[bflag:$0x3] =	sbarrier.arrive $0xFFFF;
	s2 =	simm.s32 @!p0 $0x1C05  }
0x259: {  	[timem:s3], [sflag:s2] =	dma.local @!p0 [hbm:s0], s1  }
0x25a: {  	s0 =	simm.s32 @!p0 $0x5  }
0x25b: {  	_ =	swait.ge @!p0 [sflag:s0], s1  }
0x25c: {  	s1 =	ssub.s32 @!p0 $0x0, s1;
	[sflag:s0] =	ssyncset.done @!p0 $0x0  }
0x25d: {  	[sflag:s0] =	ssyncadd.s32 @!p0 s1  }
0x25e: {  	[bflag:$0x3] =	sbarrier.arrive $0xFFFF  }
0x25f: {  	_ =	shalt  }

</sc_bundles>
